<compile_context>
chip_gen: v7x
topology: tpu7x:2x2x1
jax: 0.10.2.dev20260603
libtpu: 0.0.44.dev20260713+nightly
codegen_flags: <defaults>
</compile_context>

<pallas_src>
import functools

import jax
import jax.numpy as jnp
from jax import lax
from jax.experimental import pallas as pl
from jax.experimental.pallas import tpu as pltpu
from jax.experimental.pallas import tpu_sc as plsc

B = 16384
D = 64
HID = 64
NC = 2
NS = 16
NW = NC * NS
BPW = B // NW

TB = 2048


def _sc_gather(table, ids):
    K = 32
    mesh = plsc.VectorSubcoreMesh(core_axis_name="c", subcore_axis_name="s")

    @functools.partial(
        pl.kernel,
        mesh=mesh,
        out_type=jax.ShapeDtypeStruct((B, D), jnp.float32),
        scratch_types=[
            pltpu.VMEM((BPW,), jnp.int32),
            pltpu.VMEM((BPW, D), jnp.float32),
            pltpu.SemaphoreType.DMA,
        ],
    )
    def gather_kernel(table_hbm, idx_hbm, out_hbm, idx_v, rows_v, sem):
        wid = lax.axis_index("s") * NC + lax.axis_index("c")
        base = wid * BPW
        pltpu.sync_copy(idx_hbm.at[pl.ds(base, BPW)], idx_v)

        def chunk(c, carry):
            b0 = c * K
            copies = []
            for g in range(K // 16):
                vec = idx_v[pl.ds(b0 + g * 16, 16)]
                for k in range(16):
                    copies.append(pltpu.make_async_copy(
                        table_hbm.at[pl.ds(vec[k], 1), :],
                        rows_v.at[pl.ds(b0 + g * 16 + k, 1), :],
                        sem,
                    ))
            for cp in copies:
                cp.start()
            for cp in copies:
                cp.wait()
            return carry

        lax.fori_loop(0, BPW // K, chunk, 0)
        pltpu.sync_copy(rows_v, out_hbm.at[pl.ds(base, BPW)])

    return gather_kernel(table, ids)


def _combine_body(ct_ref, m_ref, g_ref, w1t_ref, b1_ref, w2t_ref, b2_ref,
                  out_ref):
    h = jnp.dot(w1t_ref[...], ct_ref[...],
                preferred_element_type=jnp.float32) + b1_ref[...]
    h = jnp.maximum(h, 0.0)
    spa = jnp.dot(w2t_ref[...], h,
                  preferred_element_type=jnp.float32) + b2_ref[...]
    gt = g_ref[...].T
    v = jnp.where(m_ref[...] > 0.0, gt, spa)
    inv = lax.rsqrt(jnp.sum(v * v, axis=0, keepdims=True))
    out_ref[...] = v * inv


def _tc_combine(ct, m, g, w1t, b1, w2t, b2):
    return pl.pallas_call(
        _combine_body,
        grid=(B // TB,),
        in_specs=[
            pl.BlockSpec((2, TB), lambda i: (0, i)),
            pl.BlockSpec((1, TB), lambda i: (0, i)),
            pl.BlockSpec((TB, D), lambda i: (i, 0)),
            pl.BlockSpec((HID, 2), lambda i: (0, 0)),
            pl.BlockSpec((HID, 1), lambda i: (0, 0)),
            pl.BlockSpec((D, HID), lambda i: (0, 0)),
            pl.BlockSpec((D, 1), lambda i: (0, 0)),
        ],
        out_specs=pl.BlockSpec((D, TB), lambda i: (0, i)),
        out_shape=jax.ShapeDtypeStruct((D, B), jnp.float32),
    )(ct, m, g, w1t, b1, w2t, b2)


def kernel(coords, nogeo_khot, spa_W1, spa_b1, spa_W2, spa_b2, nogeo_table,
           nogeo_ids):
    g = _sc_gather(nogeo_table, nogeo_ids)
    ct = coords.reshape(B, 2).T
    m = nogeo_khot.reshape(1, B)
    return _tc_combine(ct, m, g, spa_W1.T, spa_b1.reshape(HID, 1),
                       spa_W2.T, spa_b2.reshape(D, 1))

# --- scband reference (transcript-rebuilt; emitter-appended) ---
"""Pipeline reference for scband-extent-position-encoder-56599079026839 (READ-ONLY COPY).

The authoritative reference and input builder live on the scoring server;
editing this copy changes nothing except your own understanding.
"""

import jax, jax.numpy as jnp
import numpy as np

B = 16384
SPA_DIM = 64
HID = 64
NUM_NOGEO = 1000000


def setup_inputs(seed: int = 0) -> dict:
    key = jax.random.key(seed)
    ks = jax.random.split(key, 8)
    coords = jax.random.normal(ks[0], (B, 1, 2), dtype=jnp.float32)
    nogeo_khot = jax.random.randint(ks[1], (B,), 0, 2).astype(jnp.float32)
    nogeo_ids = jax.random.randint(ks[2], (B,), 0, NUM_NOGEO + 1, dtype=jnp.int32)
    spa_W1 = jax.random.normal(ks[3], (2, HID), dtype=jnp.float32) * 0.1
    spa_b1 = jnp.zeros((HID,), dtype=jnp.float32)
    spa_W2 = jax.random.normal(ks[4], (HID, SPA_DIM), dtype=jnp.float32) * 0.1
    spa_b2 = jnp.zeros((SPA_DIM,), dtype=jnp.float32)
    nogeo_table = jax.random.normal(ks[5], (NUM_NOGEO + 1, SPA_DIM), dtype=jnp.float32) * (1.0 / SPA_DIM)
    return {
        "coords": coords,
        "nogeo_khot": nogeo_khot,
        "spa_W1": spa_W1,
        "spa_b1": spa_b1,
        "spa_W2": spa_W2,
        "spa_b2": spa_b2,
        "nogeo_table": nogeo_table,
        "nogeo_ids": nogeo_ids,
    }


def reference(coords, nogeo_khot, spa_W1, spa_b1, spa_W2, spa_b2, nogeo_table, nogeo_ids):
    # spa_enc: small MLP space encoder mapping [B,1,2] coords -> [B,1,SPA_DIM]
    h = jax.nn.relu(jnp.einsum('bic,ch->bih', coords, spa_W1) + spa_b1)
    spa_embeds = jnp.einsum('bih,hd->bid', h, spa_W2) + spa_b2
    spa_embeds = jnp.squeeze(spa_embeds, axis=1)  # [B, D]
    mask = jnp.expand_dims(nogeo_khot, axis=1)  # [B, 1]
    pos_embeds = spa_embeds * (1.0 - mask)
    # nogeo_embed_lookup: gather + row L2-normalize
    nogeo_spa_embeds = jnp.take(nogeo_table, nogeo_ids, axis=0)  # [B, D]
    norm = jnp.linalg.norm(nogeo_spa_embeds, ord=2, axis=1, keepdims=True)
    nogeo_spa_embeds = nogeo_spa_embeds / norm
    nogeo_pos_embeds = nogeo_spa_embeds * mask
    pos_embeds = pos_embeds + nogeo_pos_embeds
    pos_embeds = pos_embeds.T  # [D, B]
    # spa_enc_embed_norm = True
    col_norm = jnp.linalg.norm(pos_embeds, ord=2, axis=0, keepdims=True)
    return pos_embeds / col_norm

if __name__ == "__main__":
    import jax
    _d = setup_inputs()
    print(jax.jit(kernel)(*tuple(_d.values())))

</pallas_src>

<mosaic_0001>
#map = affine_map<(d0, d1) -> (0, 0)>
#map1 = affine_map<(d0, d1) -> (0)>
module attributes {stable_mosaic.version = 14 : i64} {
  func.func @gather_kernel(%arg0: i32, %arg1: i32, %arg2: memref<1000001x64xf32, #tpu.memory_space<hbm>>, %arg3: memref<16384xi32, #tpu.memory_space<hbm>>, %arg4: memref<16384x64xf32, #tpu.memory_space<hbm>>, %arg5: memref<512xi32, #tpu.memory_space<vmem>>, %arg6: memref<512x64xf32, #tpu.memory_space<vmem>>, %arg7: memref<!tpu.dma_semaphore, #tpu.memory_space<semaphore_mem>>) attributes {dimension_semantics = [#tpu.dimension_semantics<core_parallel>, #tpu.dimension_semantics<subcore_parallel>], iteration_bounds = array<i64: 2, 16>, scalar_prefetch = 0 : i64, scratch_operands = 3 : i64, tpu.core_type = #tpu.core_type<sc_vector_subcore>, window_params = [{transform_indices = #map}, {transform_indices = #map1}, {transform_indices = #map}]} {
    %mul3A = arith.constant 2 : i32
    %mul3A_0 = arith.muli %arg1, %mul3A : i32
    %add3A = arith.addi %mul3A_0, %arg0 : i32
    %mul3A_1 = arith.constant 512 : i32
    %mul3A_2 = arith.muli %add3A, %mul3A_1 : i32
    "tpu.region"() ({
      %run_scoped3A = tpu.sem_alloc : memref<!tpu.dma_semaphore, #tpu.memory_space<semaphore_mem>>
      %dma_start3A = tpu.memref_slice %arg3[%mul3A_2] : memref<16384xi32, #tpu.memory_space<hbm>> -> memref<512xi32, #tpu.memory_space<hbm>>
      %dma_start3A_8 = tpu.memref_slice %arg3[%mul3A_2] : memref<16384xi32, #tpu.memory_space<hbm>> -> memref<512xi32, #tpu.memory_space<hbm>>
      tpu.enqueue_dma source(%dma_start3A_8 : memref<512xi32, #tpu.memory_space<hbm>>) target(%arg5 : memref<512xi32, #tpu.memory_space<vmem>>) target_semaphore(%run_scoped3A : memref<!tpu.dma_semaphore, #tpu.memory_space<semaphore_mem>>)
      %dma_wait3A = tpu.memref_slice %arg3[%mul3A_2] : memref<16384xi32, #tpu.memory_space<hbm>> -> memref<512xi32, #tpu.memory_space<hbm>>
      %dma_wait3A_9 = tpu.memref_slice %arg3[%mul3A_2] : memref<16384xi32, #tpu.memory_space<hbm>> -> memref<512xi32, #tpu.memory_space<hbm>>
      tpu.wait_dma2 semaphore(%run_scoped3A : memref<!tpu.dma_semaphore, #tpu.memory_space<semaphore_mem>>) src(%dma_wait3A_9 : memref<512xi32, #tpu.memory_space<hbm>>) dst(%arg5 : memref<512xi32, #tpu.memory_space<vmem>>)
      tpu.yield
    }) : () -> ()
    %scan3A = arith.constant 0 : i32
    %scan3A_3 = arith.constant 0 : i32
    %scan3A_4 = arith.constant 16 : i32
    %scan3A_5 = arith.addi %scan3A_3, %scan3A_4 : i32
    %scan3A_6 = arith.constant 1 : i32
    scf.for %scan3A_8 = %scan3A_3 to %scan3A_5 step %scan3A_6  : i32 {
      %mul3A_9 = arith.constant 32 : i32
      %mul3A_10 = arith.muli %scan3A_8, %mul3A_9 : i32
      %add3A_11 = arith.constant 0 : i32
      %add3A_12 = arith.addi %mul3A_10, %add3A_11 : i32
      %get3A = arith.index_cast %add3A_12 : i32 to index
      %get3A_13 = tpu.vector_load %arg5[%get3A] {strides = array<i32>} : memref<512xi32, #tpu.memory_space<vmem>>, vector<16xi32>,
      %get3A_14 = vector.shape_cast %get3A_13 : vector<16xi32> to vector<16xi32>
      %slice3A = vector.extract_strided_slice %get3A_14 {offsets = [0], sizes = [1], strides = [1]} : vector<16xi32> to vector<1xi32>
      %squeeze3A = vector.extract %slice3A[0] : i32 from vector<1xi32>
      %add3A_15 = arith.constant 0 : i32
      %add3A_16 = arith.addi %mul3A_10, %add3A_15 : i32
      %add3A_17 = arith.constant 0 : i32
      %add3A_18 = arith.addi %add3A_16, %add3A_17 : i32
      %slice3A_19 = vector.extract_strided_slice %get3A_14 {offsets = [1], sizes = [1], strides = [1]} : vector<16xi32> to vector<1xi32>
      %squeeze3A_20 = vector.extract %slice3A_19[0] : i32 from vector<1xi32>
      %add3A_21 = arith.constant 0 : i32
      %add3A_22 = arith.addi %mul3A_10, %add3A_21 : i32
      %add3A_23 = arith.constant 1 : i32
      %add3A_24 = arith.addi %add3A_22, %add3A_23 : i32
      %slice3A_25 = vector.extract_strided_slice %get3A_14 {offsets = [2], sizes = [1], strides = [1]} : vector<16xi32> to vector<1xi32>
      %squeeze3A_26 = vector.extract %slice3A_25[0] : i32 from vector<1xi32>
      %add3A_27 = arith.constant 0 : i32
      %add3A_28 = arith.addi %mul3A_10, %add3A_27 : i32
      %add3A_29 = arith.constant 2 : i32
      %add3A_30 = arith.addi %add3A_28, %add3A_29 : i32
      %slice3A_31 = vector.extract_strided_slice %get3A_14 {offsets = [3], sizes = [1], strides = [1]} : vector<16xi32> to vector<1xi32>
      %squeeze3A_32 = vector.extract %slice3A_31[0] : i32 from vector<1xi32>
      %add3A_33 = arith.constant 0 : i32
      %add3A_34 = arith.addi %mul3A_10, %add3A_33 : i32
      %add3A_35 = arith.constant 3 : i32
      %add3A_36 = arith.addi %add3A_34, %add3A_35 : i32
      %slice3A_37 = vector.extract_strided_slice %get3A_14 {offsets = [4], sizes = [1], strides = [1]} : vector<16xi32> to vector<1xi32>
      %squeeze3A_38 = vector.extract %slice3A_37[0] : i32 from vector<1xi32>
      %add3A_39 = arith.constant 0 : i32
      %add3A_40 = arith.addi %mul3A_10, %add3A_39 : i32
      %add3A_41 = arith.constant 4 : i32
      %add3A_42 = arith.addi %add3A_40, %add3A_41 : i32
      %slice3A_43 = vector.extract_strided_slice %get3A_14 {offsets = [5], sizes = [1], strides = [1]} : vector<16xi32> to vector<1xi32>
      %squeeze3A_44 = vector.extract %slice3A_43[0] : i32 from vector<1xi32>
      %add3A_45 = arith.constant 0 : i32
      %add3A_46 = arith.addi %mul3A_10, %add3A_45 : i32
      %add3A_47 = arith.constant 5 : i32
      %add3A_48 = arith.addi %add3A_46, %add3A_47 : i32
      %slice3A_49 = vector.extract_strided_slice %get3A_14 {offsets = [6], sizes = [1], strides = [1]} : vector<16xi32> to vector<1xi32>
      %squeeze3A_50 = vector.extract %slice3A_49[0] : i32 from vector<1xi32>
      %add3A_51 = arith.constant 0 : i32
      %add3A_52 = arith.addi %mul3A_10, %add3A_51 : i32
      %add3A_53 = arith.constant 6 : i32
      %add3A_54 = arith.addi %add3A_52, %add3A_53 : i32
      %slice3A_55 = vector.extract_strided_slice %get3A_14 {offsets = [7], sizes = [1], strides = [1]} : vector<16xi32> to vector<1xi32>
      %squeeze3A_56 = vector.extract %slice3A_55[0] : i32 from vector<1xi32>
      %add3A_57 = arith.constant 0 : i32
      %add3A_58 = arith.addi %mul3A_10, %add3A_57 : i32
      %add3A_59 = arith.constant 7 : i32
      %add3A_60 = arith.addi %add3A_58, %add3A_59 : i32
      %slice3A_61 = vector.extract_strided_slice %get3A_14 {offsets = [8], sizes = [1], strides = [1]} : vector<16xi32> to vector<1xi32>
      %squeeze3A_62 = vector.extract %slice3A_61[0] : i32 from vector<1xi32>
      %add3A_63 = arith.constant 0 : i32
      %add3A_64 = arith.addi %mul3A_10, %add3A_63 : i32
      %add3A_65 = arith.constant 8 : i32
      %add3A_66 = arith.addi %add3A_64, %add3A_65 : i32
      %slice3A_67 = vector.extract_strided_slice %get3A_14 {offsets = [9], sizes = [1], strides = [1]} : vector<16xi32> to vector<1xi32>
      %squeeze3A_68 = vector.extract %slice3A_67[0] : i32 from vector<1xi32>
      %add3A_69 = arith.constant 0 : i32
      %add3A_70 = arith.addi %mul3A_10, %add3A_69 : i32
      %add3A_71 = arith.constant 9 : i32
      %add3A_72 = arith.addi %add3A_70, %add3A_71 : i32
      %slice3A_73 = vector.extract_strided_slice %get3A_14 {offsets = [10], sizes = [1], strides = [1]} : vector<16xi32> to vector<1xi32>
      %squeeze3A_74 = vector.extract %slice3A_73[0] : i32 from vector<1xi32>
      %add3A_75 = arith.constant 0 : i32
      %add3A_76 = arith.addi %mul3A_10, %add3A_75 : i32
      %add3A_77 = arith.constant 10 : i32
      %add3A_78 = arith.addi %add3A_76, %add3A_77 : i32
      %slice3A_79 = vector.extract_strided_slice %get3A_14 {offsets = [11], sizes = [1], strides = [1]} : vector<16xi32> to vector<1xi32>
      %squeeze3A_80 = vector.extract %slice3A_79[0] : i32 from vector<1xi32>
      %add3A_81 = arith.constant 0 : i32
      %add3A_82 = arith.addi %mul3A_10, %add3A_81 : i32
      %add3A_83 = arith.constant 11 : i32
      %add3A_84 = arith.addi %add3A_82, %add3A_83 : i32
      %slice3A_85 = vector.extract_strided_slice %get3A_14 {offsets = [12], sizes = [1], strides = [1]} : vector<16xi32> to vector<1xi32>
      %squeeze3A_86 = vector.extract %slice3A_85[0] : i32 from vector<1xi32>
      %add3A_87 = arith.constant 0 : i32
      %add3A_88 = arith.addi %mul3A_10, %add3A_87 : i32
      %add3A_89 = arith.constant 12 : i32
      %add3A_90 = arith.addi %add3A_88, %add3A_89 : i32
      %slice3A_91 = vector.extract_strided_slice %get3A_14 {offsets = [13], sizes = [1], strides = [1]} : vector<16xi32> to vector<1xi32>
      %squeeze3A_92 = vector.extract %slice3A_91[0] : i32 from vector<1xi32>
      %add3A_93 = arith.constant 0 : i32
      %add3A_94 = arith.addi %mul3A_10, %add3A_93 : i32
      %add3A_95 = arith.constant 13 : i32
      %add3A_96 = arith.addi %add3A_94, %add3A_95 : i32
      %slice3A_97 = vector.extract_strided_slice %get3A_14 {offsets = [14], sizes = [1], strides = [1]} : vector<16xi32> to vector<1xi32>
      %squeeze3A_98 = vector.extract %slice3A_97[0] : i32 from vector<1xi32>
      %add3A_99 = arith.constant 0 : i32
      %add3A_100 = arith.addi %mul3A_10, %add3A_99 : i32
      %add3A_101 = arith.constant 14 : i32
      %add3A_102 = arith.addi %add3A_100, %add3A_101 : i32
      %slice3A_103 = vector.extract_strided_slice %get3A_14 {offsets = [15], sizes = [1], strides = [1]} : vector<16xi32> to vector<1xi32>
      %squeeze3A_104 = vector.extract %slice3A_103[0] : i32 from vector<1xi32>
      %add3A_105 = arith.constant 0 : i32
      %add3A_106 = arith.addi %mul3A_10, %add3A_105 : i32
      %add3A_107 = arith.constant 15 : i32
      %add3A_108 = arith.addi %add3A_106, %add3A_107 : i32
      %add3A_109 = arith.constant 16 : i32
      %add3A_110 = arith.addi %mul3A_10, %add3A_109 : i32
      %get3A_111 = arith.index_cast %add3A_110 : i32 to index
      %get3A_112 = tpu.vector_load %arg5[%get3A_111] {strides = array<i32>} : memref<512xi32, #tpu.memory_space<vmem>>, vector<16xi32>,
      %get3A_113 = vector.shape_cast %get3A_112 : vector<16xi32> to vector<16xi32>
      %slice3A_114 = vector.extract_strided_slice %get3A_113 {offsets = [0], sizes = [1], strides = [1]} : vector<16xi32> to vector<1xi32>
      %squeeze3A_115 = vector.extract %slice3A_114[0] : i32 from vector<1xi32>
      %add3A_116 = arith.constant 16 : i32
      %add3A_117 = arith.addi %mul3A_10, %add3A_116 : i32
      %add3A_118 = arith.constant 0 : i32
      %add3A_119 = arith.addi %add3A_117, %add3A_118 : i32
      %slice3A_120 = vector.extract_strided_slice %get3A_113 {offsets = [1], sizes = [1], strides = [1]} : vector<16xi32> to vector<1xi32>
      %squeeze3A_121 = vector.extract %slice3A_120[0] : i32 from vector<1xi32>
      %add3A_122 = arith.constant 16 : i32
      %add3A_123 = arith.addi %mul3A_10, %add3A_122 : i32
      %add3A_124 = arith.constant 1 : i32
      %add3A_125 = arith.addi %add3A_123, %add3A_124 : i32
      %slice3A_126 = vector.extract_strided_slice %get3A_113 {offsets = [2], sizes = [1], strides = [1]} : vector<16xi32> to vector<1xi32>
      %squeeze3A_127 = vector.extract %slice3A_126[0] : i32 from vector<1xi32>
      %add3A_128 = arith.constant 16 : i32
      %add3A_129 = arith.addi %mul3A_10, %add3A_128 : i32
      %add3A_130 = arith.constant 2 : i32
      %add3A_131 = arith.addi %add3A_129, %add3A_130 : i32
      %slice3A_132 = vector.extract_strided_slice %get3A_113 {offsets = [3], sizes = [1], strides = [1]} : vector<16xi32> to vector<1xi32>
      %squeeze3A_133 = vector.extract %slice3A_132[0] : i32 from vector<1xi32>
      %add3A_134 = arith.constant 16 : i32
      %add3A_135 = arith.addi %mul3A_10, %add3A_134 : i32
      %add3A_136 = arith.constant 3 : i32
      %add3A_137 = arith.addi %add3A_135, %add3A_136 : i32
      %slice3A_138 = vector.extract_strided_slice %get3A_113 {offsets = [4], sizes = [1], strides = [1]} : vector<16xi32> to vector<1xi32>
      %squeeze3A_139 = vector.extract %slice3A_138[0] : i32 from vector<1xi32>
      %add3A_140 = arith.constant 16 : i32
      %add3A_141 = arith.addi %mul3A_10, %add3A_140 : i32
      %add3A_142 = arith.constant 4 : i32
      %add3A_143 = arith.addi %add3A_141, %add3A_142 : i32
      %slice3A_144 = vector.extract_strided_slice %get3A_113 {offsets = [5], sizes = [1], strides = [1]} : vector<16xi32> to vector<1xi32>
      %squeeze3A_145 = vector.extract %slice3A_144[0] : i32 from vector<1xi32>
      %add3A_146 = arith.constant 16 : i32
      %add3A_147 = arith.addi %mul3A_10, %add3A_146 : i32
      %add3A_148 = arith.constant 5 : i32
      %add3A_149 = arith.addi %add3A_147, %add3A_148 : i32
      %slice3A_150 = vector.extract_strided_slice %get3A_113 {offsets = [6], sizes = [1], strides = [1]} : vector<16xi32> to vector<1xi32>
      %squeeze3A_151 = vector.extract %slice3A_150[0] : i32 from vector<1xi32>
      %add3A_152 = arith.constant 16 : i32
      %add3A_153 = arith.addi %mul3A_10, %add3A_152 : i32
      %add3A_154 = arith.constant 6 : i32
      %add3A_155 = arith.addi %add3A_153, %add3A_154 : i32
      %slice3A_156 = vector.extract_strided_slice %get3A_113 {offsets = [7], sizes = [1], strides = [1]} : vector<16xi32> to vector<1xi32>
      %squeeze3A_157 = vector.extract %slice3A_156[0] : i32 from vector<1xi32>
      %add3A_158 = arith.constant 16 : i32
      %add3A_159 = arith.addi %mul3A_10, %add3A_158 : i32
      %add3A_160 = arith.constant 7 : i32
      %add3A_161 = arith.addi %add3A_159, %add3A_160 : i32
      %slice3A_162 = vector.extract_strided_slice %get3A_113 {offsets = [8], sizes = [1], strides = [1]} : vector<16xi32> to vector<1xi32>
      %squeeze3A_163 = vector.extract %slice3A_162[0] : i32 from vector<1xi32>
      %add3A_164 = arith.constant 16 : i32
      %add3A_165 = arith.addi %mul3A_10, %add3A_164 : i32
      %add3A_166 = arith.constant 8 : i32
      %add3A_167 = arith.addi %add3A_165, %add3A_166 : i32
      %slice3A_168 = vector.extract_strided_slice %get3A_113 {offsets = [9], sizes = [1], strides = [1]} : vector<16xi32> to vector<1xi32>
      %squeeze3A_169 = vector.extract %slice3A_168[0] : i32 from vector<1xi32>
      %add3A_170 = arith.constant 16 : i32
      %add3A_171 = arith.addi %mul3A_10, %add3A_170 : i32
      %add3A_172 = arith.constant 9 : i32
      %add3A_173 = arith.addi %add3A_171, %add3A_172 : i32
      %slice3A_174 = vector.extract_strided_slice %get3A_113 {offsets = [10], sizes = [1], strides = [1]} : vector<16xi32> to vector<1xi32>
      %squeeze3A_175 = vector.extract %slice3A_174[0] : i32 from vector<1xi32>
      %add3A_176 = arith.constant 16 : i32
      %add3A_177 = arith.addi %mul3A_10, %add3A_176 : i32
      %add3A_178 = arith.constant 10 : i32
      %add3A_179 = arith.addi %add3A_177, %add3A_178 : i32
      %slice3A_180 = vector.extract_strided_slice %get3A_113 {offsets = [11], sizes = [1], strides = [1]} : vector<16xi32> to vector<1xi32>
      %squeeze3A_181 = vector.extract %slice3A_180[0] : i32 from vector<1xi32>
      %add3A_182 = arith.constant 16 : i32
      %add3A_183 = arith.addi %mul3A_10, %add3A_182 : i32
      %add3A_184 = arith.constant 11 : i32
      %add3A_185 = arith.addi %add3A_183, %add3A_184 : i32
      %slice3A_186 = vector.extract_strided_slice %get3A_113 {offsets = [12], sizes = [1], strides = [1]} : vector<16xi32> to vector<1xi32>
      %squeeze3A_187 = vector.extract %slice3A_186[0] : i32 from vector<1xi32>
      %add3A_188 = arith.constant 16 : i32
      %add3A_189 = arith.addi %mul3A_10, %add3A_188 : i32
      %add3A_190 = arith.constant 12 : i32
      %add3A_191 = arith.addi %add3A_189, %add3A_190 : i32
      %slice3A_192 = vector.extract_strided_slice %get3A_113 {offsets = [13], sizes = [1], strides = [1]} : vector<16xi32> to vector<1xi32>
      %squeeze3A_193 = vector.extract %slice3A_192[0] : i32 from vector<1xi32>
      %add3A_194 = arith.constant 16 : i32
      %add3A_195 = arith.addi %mul3A_10, %add3A_194 : i32
      %add3A_196 = arith.constant 13 : i32
      %add3A_197 = arith.addi %add3A_195, %add3A_196 : i32
      %slice3A_198 = vector.extract_strided_slice %get3A_113 {offsets = [14], sizes = [1], strides = [1]} : vector<16xi32> to vector<1xi32>
      %squeeze3A_199 = vector.extract %slice3A_198[0] : i32 from vector<1xi32>
      %add3A_200 = arith.constant 16 : i32
      %add3A_201 = arith.addi %mul3A_10, %add3A_200 : i32
      %add3A_202 = arith.constant 14 : i32
      %add3A_203 = arith.addi %add3A_201, %add3A_202 : i32
      %slice3A_204 = vector.extract_strided_slice %get3A_113 {offsets = [15], sizes = [1], strides = [1]} : vector<16xi32> to vector<1xi32>
      %squeeze3A_205 = vector.extract %slice3A_204[0] : i32 from vector<1xi32>
      %add3A_206 = arith.constant 16 : i32
      %add3A_207 = arith.addi %mul3A_10, %add3A_206 : i32
      %add3A_208 = arith.constant 15 : i32
      %add3A_209 = arith.addi %add3A_207, %add3A_208 : i32
      %dma_start3A = arith.constant 0 : i32
      %dma_start3A_210 = tpu.memref_slice %arg6[%add3A_18, %dma_start3A] : memref<512x64xf32, #tpu.memory_space<vmem>> -> memref<1x64xf32, #tpu.memory_space<vmem>>
      %dma_start3A_211 = arith.constant 0 : i32
      %dma_start3A_212 = tpu.memref_slice %arg2[%squeeze3A, %dma_start3A_211] : memref<1000001x64xf32, #tpu.memory_space<hbm>> -> memref<1x64xf32, #tpu.memory_space<hbm>>
      %dma_start3A_213 = arith.constant 0 : i32
      %dma_start3A_214 = tpu.memref_slice %arg6[%add3A_18, %dma_start3A_213] : memref<512x64xf32, #tpu.memory_space<vmem>> -> memref<1x64xf32, #tpu.memory_space<vmem>>
      %dma_start3A_215 = arith.constant 0 : i32
      %dma_start3A_216 = tpu.memref_slice %arg2[%squeeze3A, %dma_start3A_215] : memref<1000001x64xf32, #tpu.memory_space<hbm>> -> memref<1x64xf32, #tpu.memory_space<hbm>>
      tpu.enqueue_dma source(%dma_start3A_216 : memref<1x64xf32, #tpu.memory_space<hbm>>) target(%dma_start3A_214 : memref<1x64xf32, #tpu.memory_space<vmem>>) target_semaphore(%arg7 : memref<!tpu.dma_semaphore, #tpu.memory_space<semaphore_mem>>)
      %dma_start3A_217 = arith.constant 0 : i32
      %dma_start3A_218 = tpu.memref_slice %arg6[%add3A_24, %dma_start3A_217] : memref<512x64xf32, #tpu.memory_space<vmem>> -> memref<1x64xf32, #tpu.memory_space<vmem>>
      %dma_start3A_219 = arith.constant 0 : i32
      %dma_start3A_220 = tpu.memref_slice %arg2[%squeeze3A_20, %dma_start3A_219] : memref<1000001x64xf32, #tpu.memory_space<hbm>> -> memref<1x64xf32, #tpu.memory_space<hbm>>
      %dma_start3A_221 = arith.constant 0 : i32
      %dma_start3A_222 = tpu.memref_slice %arg6[%add3A_24, %dma_start3A_221] : memref<512x64xf32, #tpu.memory_space<vmem>> -> memref<1x64xf32, #tpu.memory_space<vmem>>
      %dma_start3A_223 = arith.constant 0 : i32
      %dma_start3A_224 = tpu.memref_slice %arg2[%squeeze3A_20, %dma_start3A_223] : memref<1000001x64xf32, #tpu.memory_space<hbm>> -> memref<1x64xf32, #tpu.memory_space<hbm>>
      tpu.enqueue_dma source(%dma_start3A_224 : memref<1x64xf32, #tpu.memory_space<hbm>>) target(%dma_start3A_222 : memref<1x64xf32, #tpu.memory_space<vmem>>) target_semaphore(%arg7 : memref<!tpu.dma_semaphore, #tpu.memory_space<semaphore_mem>>)
      %dma_start3A_225 = arith.constant 0 : i32
      %dma_start3A_226 = tpu.memref_slice %arg6[%add3A_30, %dma_start3A_225] : memref<512x64xf32, #tpu.memory_space<vmem>> -> memref<1x64xf32, #tpu.memory_space<vmem>>
      %dma_start3A_227 = arith.constant 0 : i32
      %dma_start3A_228 = tpu.memref_slice %arg2[%squeeze3A_26, %dma_start3A_227] : memref<1000001x64xf32, #tpu.memory_space<hbm>> -> memref<1x64xf32, #tpu.memory_space<hbm>>
      %dma_start3A_229 = arith.constant 0 : i32
      %dma_start3A_230 = tpu.memref_slice %arg6[%add3A_30, %dma_start3A_229] : memref<512x64xf32, #tpu.memory_space<vmem>> -> memref<1x64xf32, #tpu.memory_space<vmem>>
      %dma_start3A_231 = arith.constant 0 : i32
      %dma_start3A_232 = tpu.memref_slice %arg2[%squeeze3A_26, %dma_start3A_231] : memref<1000001x64xf32, #tpu.memory_space<hbm>> -> memref<1x64xf32, #tpu.memory_space<hbm>>
      tpu.enqueue_dma source(%dma_start3A_232 : memref<1x64xf32, #tpu.memory_space<hbm>>) target(%dma_start3A_230 : memref<1x64xf32, #tpu.memory_space<vmem>>) target_semaphore(%arg7 : memref<!tpu.dma_semaphore, #tpu.memory_space<semaphore_mem>>)
      %dma_start3A_233 = arith.constant 0 : i32
      %dma_start3A_234 = tpu.memref_slice %arg6[%add3A_36, %dma_start3A_233] : memref<512x64xf32, #tpu.memory_space<vmem>> -> memref<1x64xf32, #tpu.memory_space<vmem>>
      %dma_start3A_235 = arith.constant 0 : i32
      %dma_start3A_236 = tpu.memref_slice %arg2[%squeeze3A_32, %dma_start3A_235] : memref<1000001x64xf32, #tpu.memory_space<hbm>> -> memref<1x64xf32, #tpu.memory_space<hbm>>
      %dma_start3A_237 = arith.constant 0 : i32
      %dma_start3A_238 = tpu.memref_slice %arg6[%add3A_36, %dma_start3A_237] : memref<512x64xf32, #tpu.memory_space<vmem>> -> memref<1x64xf32, #tpu.memory_space<vmem>>
      %dma_start3A_239 = arith.constant 0 : i32
      %dma_start3A_240 = tpu.memref_slice %arg2[%squeeze3A_32, %dma_start3A_239] : memref<1000001x64xf32, #tpu.memory_space<hbm>> -> memref<1x64xf32, #tpu.memory_space<hbm>>
      tpu.enqueue_dma source(%dma_start3A_240 : memref<1x64xf32, #tpu.memory_space<hbm>>) target(%dma_start3A_238 : memref<1x64xf32, #tpu.memory_space<vmem>>) target_semaphore(%arg7 : memref<!tpu.dma_semaphore, #tpu.memory_space<semaphore_mem>>)
      %dma_start3A_241 = arith.constant 0 : i32
      %dma_start3A_242 = tpu.memref_slice %arg6[%add3A_42, %dma_start3A_241] : memref<512x64xf32, #tpu.memory_space<vmem>> -> memref<1x64xf32, #tpu.memory_space<vmem>>
      %dma_start3A_243 = arith.constant 0 : i32
      %dma_start3A_244 = tpu.memref_slice %arg2[%squeeze3A_38, %dma_start3A_243] : memref<1000001x64xf32, #tpu.memory_space<hbm>> -> memref<1x64xf32, #tpu.memory_space<hbm>>
      %dma_start3A_245 = arith.constant 0 : i32
      %dma_start3A_246 = tpu.memref_slice %arg6[%add3A_42, %dma_start3A_245] : memref<512x64xf32, #tpu.memory_space<vmem>> -> memref<1x64xf32, #tpu.memory_space<vmem>>
      %dma_start3A_247 = arith.constant 0 : i32
      %dma_start3A_248 = tpu.memref_slice %arg2[%squeeze3A_38, %dma_start3A_247] : memref<1000001x64xf32, #tpu.memory_space<hbm>> -> memref<1x64xf32, #tpu.memory_space<hbm>>
      tpu.enqueue_dma source(%dma_start3A_248 : memref<1x64xf32, #tpu.memory_space<hbm>>) target(%dma_start3A_246 : memref<1x64xf32, #tpu.memory_space<vmem>>) target_semaphore(%arg7 : memref<!tpu.dma_semaphore, #tpu.memory_space<semaphore_mem>>)
      %dma_start3A_249 = arith.constant 0 : i32
      %dma_start3A_250 = tpu.memref_slice %arg6[%add3A_48, %dma_start3A_249] : memref<512x64xf32, #tpu.memory_space<vmem>> -> memref<1x64xf32, #tpu.memory_space<vmem>>
      %dma_start3A_251 = arith.constant 0 : i32
      %dma_start3A_252 = tpu.memref_slice %arg2[%squeeze3A_44, %dma_start3A_251] : memref<1000001x64xf32, #tpu.memory_space<hbm>> -> memref<1x64xf32, #tpu.memory_space<hbm>>
      %dma_start3A_253 = arith.constant 0 : i32
      %dma_start3A_254 = tpu.memref_slice %arg6[%add3A_48, %dma_start3A_253] : memref<512x64xf32, #tpu.memory_space<vmem>> -> memref<1x64xf32, #tpu.memory_space<vmem>>
      %dma_start3A_255 = arith.constant 0 : i32
      %dma_start3A_256 = tpu.memref_slice %arg2[%squeeze3A_44, %dma_start3A_255] : memref<1000001x64xf32, #tpu.memory_space<hbm>> -> memref<1x64xf32, #tpu.memory_space<hbm>>
      tpu.enqueue_dma source(%dma_start3A_256 : memref<1x64xf32, #tpu.memory_space<hbm>>) target(%dma_start3A_254 : memref<1x64xf32, #tpu.memory_space<vmem>>) target_semaphore(%arg7 : memref<!tpu.dma_semaphore, #tpu.memory_space<semaphore_mem>>)
      %dma_start3A_257 = arith.constant 0 : i32
      %dma_start3A_258 = tpu.memref_slice %arg6[%add3A_54, %dma_start3A_257] : memref<512x64xf32, #tpu.memory_space<vmem>> -> memref<1x64xf32, #tpu.memory_space<vmem>>
      %dma_start3A_259 = arith.constant 0 : i32
      %dma_start3A_260 = tpu.memref_slice %arg2[%squeeze3A_50, %dma_start3A_259] : memref<1000001x64xf32, #tpu.memory_space<hbm>> -> memref<1x64xf32, #tpu.memory_space<hbm>>
      %dma_start3A_261 = arith.constant 0 : i32
      %dma_start3A_262 = tpu.memref_slice %arg6[%add3A_54, %dma_start3A_261] : memref<512x64xf32, #tpu.memory_space<vmem>> -> memref<1x64xf32, #tpu.memory_space<vmem>>
      %dma_start3A_263 = arith.constant 0 : i32
      %dma_start3A_264 = tpu.memref_slice %arg2[%squeeze3A_50, %dma_start3A_263] : memref<1000001x64xf32, #tpu.memory_space<hbm>> -> memref<1x64xf32, #tpu.memory_space<hbm>>
      tpu.enqueue_dma source(%dma_start3A_264 : memref<1x64xf32, #tpu.memory_space<hbm>>) target(%dma_start3A_262 : memref<1x64xf32, #tpu.memory_space<vmem>>) target_semaphore(%arg7 : memref<!tpu.dma_semaphore, #tpu.memory_space<semaphore_mem>>)
      %dma_start3A_265 = arith.constant 0 : i32
      %dma_start3A_266 = tpu.memref_slice %arg6[%add3A_60, %dma_start3A_265] : memref<512x64xf32, #tpu.memory_space<vmem>> -> memref<1x64xf32, #tpu.memory_space<vmem>>
      %dma_start3A_267 = arith.constant 0 : i32
      %dma_start3A_268 = tpu.memref_slice %arg2[%squeeze3A_56, %dma_start3A_267] : memref<1000001x64xf32, #tpu.memory_space<hbm>> -> memref<1x64xf32, #tpu.memory_space<hbm>>
      %dma_start3A_269 = arith.constant 0 : i32
      %dma_start3A_270 = tpu.memref_slice %arg6[%add3A_60, %dma_start3A_269] : memref<512x64xf32, #tpu.memory_space<vmem>> -> memref<1x64xf32, #tpu.memory_space<vmem>>
      %dma_start3A_271 = arith.constant 0 : i32
      %dma_start3A_272 = tpu.memref_slice %arg2[%squeeze3A_56, %dma_start3A_271] : memref<1000001x64xf32, #tpu.memory_space<hbm>> -> memref<1x64xf32, #tpu.memory_space<hbm>>
      tpu.enqueue_dma source(%dma_start3A_272 : memref<1x64xf32, #tpu.memory_space<hbm>>) target(%dma_start3A_270 : memref<1x64xf32, #tpu.memory_space<vmem>>) target_semaphore(%arg7 : memref<!tpu.dma_semaphore, #tpu.memory_space<semaphore_mem>>)
      %dma_start3A_273 = arith.constant 0 : i32
      %dma_start3A_274 = tpu.memref_slice %arg6[%add3A_66, %dma_start3A_273] : memref<512x64xf32, #tpu.memory_space<vmem>> -> memref<1x64xf32, #tpu.memory_space<vmem>>
      %dma_start3A_275 = arith.constant 0 : i32
      %dma_start3A_276 = tpu.memref_slice %arg2[%squeeze3A_62, %dma_start3A_275] : memref<1000001x64xf32, #tpu.memory_space<hbm>> -> memref<1x64xf32, #tpu.memory_space<hbm>>
      %dma_start3A_277 = arith.constant 0 : i32
      %dma_start3A_278 = tpu.memref_slice %arg6[%add3A_66, %dma_start3A_277] : memref<512x64xf32, #tpu.memory_space<vmem>> -> memref<1x64xf32, #tpu.memory_space<vmem>>
      %dma_start3A_279 = arith.constant 0 : i32
      %dma_start3A_280 = tpu.memref_slice %arg2[%squeeze3A_62, %dma_start3A_279] : memref<1000001x64xf32, #tpu.memory_space<hbm>> -> memref<1x64xf32, #tpu.memory_space<hbm>>
      tpu.enqueue_dma source(%dma_start3A_280 : memref<1x64xf32, #tpu.memory_space<hbm>>) target(%dma_start3A_278 : memref<1x64xf32, #tpu.memory_space<vmem>>) target_semaphore(%arg7 : memref<!tpu.dma_semaphore, #tpu.memory_space<semaphore_mem>>)
      %dma_start3A_281 = arith.constant 0 : i32
      %dma_start3A_282 = tpu.memref_slice %arg6[%add3A_72, %dma_start3A_281] : memref<512x64xf32, #tpu.memory_space<vmem>> -> memref<1x64xf32, #tpu.memory_space<vmem>>
      %dma_start3A_283 = arith.constant 0 : i32
      %dma_start3A_284 = tpu.memref_slice %arg2[%squeeze3A_68, %dma_start3A_283] : memref<1000001x64xf32, #tpu.memory_space<hbm>> -> memref<1x64xf32, #tpu.memory_space<hbm>>
      %dma_start3A_285 = arith.constant 0 : i32
      %dma_start3A_286 = tpu.memref_slice %arg6[%add3A_72, %dma_start3A_285] : memref<512x64xf32, #tpu.memory_space<vmem>> -> memref<1x64xf32, #tpu.memory_space<vmem>>
      %dma_start3A_287 = arith.constant 0 : i32
      %dma_start3A_288 = tpu.memref_slice %arg2[%squeeze3A_68, %dma_start3A_287] : memref<1000001x64xf32, #tpu.memory_space<hbm>> -> memref<1x64xf32, #tpu.memory_space<hbm>>
      tpu.enqueue_dma source(%dma_start3A_288 : memref<1x64xf32, #tpu.memory_space<hbm>>) target(%dma_start3A_286 : memref<1x64xf32, #tpu.memory_space<vmem>>) target_semaphore(%arg7 : memref<!tpu.dma_semaphore, #tpu.memory_space<semaphore_mem>>)
      %dma_start3A_289 = arith.constant 0 : i32
      %dma_start3A_290 = tpu.memref_slice %arg6[%add3A_78, %dma_start3A_289] : memref<512x64xf32, #tpu.memory_space<vmem>> -> memref<1x64xf32, #tpu.memory_space<vmem>>
      %dma_start3A_291 = arith.constant 0 : i32
      %dma_start3A_292 = tpu.memref_slice %arg2[%squeeze3A_74, %dma_start3A_291] : memref<1000001x64xf32, #tpu.memory_space<hbm>> -> memref<1x64xf32, #tpu.memory_space<hbm>>
      %dma_start3A_293 = arith.constant 0 : i32
      %dma_start3A_294 = tpu.memref_slice %arg6[%add3A_78, %dma_start3A_293] : memref<512x64xf32, #tpu.memory_space<vmem>> -> memref<1x64xf32, #tpu.memory_space<vmem>>
      %dma_start3A_295 = arith.constant 0 : i32
      %dma_start3A_296 = tpu.memref_slice %arg2[%squeeze3A_74, %dma_start3A_295] : memref<1000001x64xf32, #tpu.memory_space<hbm>> -> memref<1x64xf32, #tpu.memory_space<hbm>>
      tpu.enqueue_dma source(%dma_start3A_296 : memref<1x64xf32, #tpu.memory_space<hbm>>) target(%dma_start3A_294 : memref<1x64xf32, #tpu.memory_space<vmem>>) target_semaphore(%arg7 : memref<!tpu.dma_semaphore, #tpu.memory_space<semaphore_mem>>)
      %dma_start3A_297 = arith.constant 0 : i32
      %dma_start3A_298 = tpu.memref_slice %arg6[%add3A_84, %dma_start3A_297] : memref<512x64xf32, #tpu.memory_space<vmem>> -> memref<1x64xf32, #tpu.memory_space<vmem>>
      %dma_start3A_299 = arith.constant 0 : i32
      %dma_start3A_300 = tpu.memref_slice %arg2[%squeeze3A_80, %dma_start3A_299] : memref<1000001x64xf32, #tpu.memory_space<hbm>> -> memref<1x64xf32, #tpu.memory_space<hbm>>
      %dma_start3A_301 = arith.constant 0 : i32
      %dma_start3A_302 = tpu.memref_slice %arg6[%add3A_84, %dma_start3A_301] : memref<512x64xf32, #tpu.memory_space<vmem>> -> memref<1x64xf32, #tpu.memory_space<vmem>>
      %dma_start3A_303 = arith.constant 0 : i32
      %dma_start3A_304 = tpu.memref_slice %arg2[%squeeze3A_80, %dma_start3A_303] : memref<1000001x64xf32, #tpu.memory_space<hbm>> -> memref<1x64xf32, #tpu.memory_space<hbm>>
      tpu.enqueue_dma source(%dma_start3A_304 : memref<1x64xf32, #tpu.memory_space<hbm>>) target(%dma_start3A_302 : memref<1x64xf32, #tpu.memory_space<vmem>>) target_semaphore(%arg7 : memref<!tpu.dma_semaphore, #tpu.memory_space<semaphore_mem>>)
      %dma_start3A_305 = arith.constant 0 : i32
      %dma_start3A_306 = tpu.memref_slice %arg6[%add3A_90, %dma_start3A_305] : memref<512x64xf32, #tpu.memory_space<vmem>> -> memref<1x64xf32, #tpu.memory_space<vmem>>
      %dma_start3A_307 = arith.constant 0 : i32
      %dma_start3A_308 = tpu.memref_slice %arg2[%squeeze3A_86, %dma_start3A_307] : memref<1000001x64xf32, #tpu.memory_space<hbm>> -> memref<1x64xf32, #tpu.memory_space<hbm>>
      %dma_start3A_309 = arith.constant 0 : i32
      %dma_start3A_310 = tpu.memref_slice %arg6[%add3A_90, %dma_start3A_309] : memref<512x64xf32, #tpu.memory_space<vmem>> -> memref<1x64xf32, #tpu.memory_space<vmem>>
      %dma_start3A_311 = arith.constant 0 : i32
      %dma_start3A_312 = tpu.memref_slice %arg2[%squeeze3A_86, %dma_start3A_311] : memref<1000001x64xf32, #tpu.memory_space<hbm>> -> memref<1x64xf32, #tpu.memory_space<hbm>>
      tpu.enqueue_dma source(%dma_start3A_312 : memref<1x64xf32, #tpu.memory_space<hbm>>) target(%dma_start3A_310 : memref<1x64xf32, #tpu.memory_space<vmem>>) target_semaphore(%arg7 : memref<!tpu.dma_semaphore, #tpu.memory_space<semaphore_mem>>)
      %dma_start3A_313 = arith.constant 0 : i32
      %dma_start3A_314 = tpu.memref_slice %arg6[%add3A_96, %dma_start3A_313] : memref<512x64xf32, #tpu.memory_space<vmem>> -> memref<1x64xf32, #tpu.memory_space<vmem>>
      %dma_start3A_315 = arith.constant 0 : i32
      %dma_start3A_316 = tpu.memref_slice %arg2[%squeeze3A_92, %dma_start3A_315] : memref<1000001x64xf32, #tpu.memory_space<hbm>> -> memref<1x64xf32, #tpu.memory_space<hbm>>
      %dma_start3A_317 = arith.constant 0 : i32
      %dma_start3A_318 = tpu.memref_slice %arg6[%add3A_96, %dma_start3A_317] : memref<512x64xf32, #tpu.memory_space<vmem>> -> memref<1x64xf32, #tpu.memory_space<vmem>>
      %dma_start3A_319 = arith.constant 0 : i32
      %dma_start3A_320 = tpu.memref_slice %arg2[%squeeze3A_92, %dma_start3A_319] : memref<1000001x64xf32, #tpu.memory_space<hbm>> -> memref<1x64xf32, #tpu.memory_space<hbm>>
      tpu.enqueue_dma source(%dma_start3A_320 : memref<1x64xf32, #tpu.memory_space<hbm>>) target(%dma_start3A_318 : memref<1x64xf32, #tpu.memory_space<vmem>>) target_semaphore(%arg7 : memref<!tpu.dma_semaphore, #tpu.memory_space<semaphore_mem>>)
      %dma_start3A_321 = arith.constant 0 : i32
      %dma_start3A_322 = tpu.memref_slice %arg6[%add3A_102, %dma_start3A_321] : memref<512x64xf32, #tpu.memory_space<vmem>> -> memref<1x64xf32, #tpu.memory_space<vmem>>
      %dma_start3A_323 = arith.constant 0 : i32
      %dma_start3A_324 = tpu.memref_slice %arg2[%squeeze3A_98, %dma_start3A_323] : memref<1000001x64xf32, #tpu.memory_space<hbm>> -> memref<1x64xf32, #tpu.memory_space<hbm>>
      %dma_start3A_325 = arith.constant 0 : i32
      %dma_start3A_326 = tpu.memref_slice %arg6[%add3A_102, %dma_start3A_325] : memref<512x64xf32, #tpu.memory_space<vmem>> -> memref<1x64xf32, #tpu.memory_space<vmem>>
      %dma_start3A_327 = arith.constant 0 : i32
      %dma_start3A_328 = tpu.memref_slice %arg2[%squeeze3A_98, %dma_start3A_327] : memref<1000001x64xf32, #tpu.memory_space<hbm>> -> memref<1x64xf32, #tpu.memory_space<hbm>>
      tpu.enqueue_dma source(%dma_start3A_328 : memref<1x64xf32, #tpu.memory_space<hbm>>) target(%dma_start3A_326 : memref<1x64xf32, #tpu.memory_space<vmem>>) target_semaphore(%arg7 : memref<!tpu.dma_semaphore, #tpu.memory_space<semaphore_mem>>)
      %dma_start3A_329 = arith.constant 0 : i32
      %dma_start3A_330 = tpu.memref_slice %arg6[%add3A_108, %dma_start3A_329] : memref<512x64xf32, #tpu.memory_space<vmem>> -> memref<1x64xf32, #tpu.memory_space<vmem>>
      %dma_start3A_331 = arith.constant 0 : i32
      %dma_start3A_332 = tpu.memref_slice %arg2[%squeeze3A_104, %dma_start3A_331] : memref<1000001x64xf32, #tpu.memory_space<hbm>> -> memref<1x64xf32, #tpu.memory_space<hbm>>
      %dma_start3A_333 = arith.constant 0 : i32
      %dma_start3A_334 = tpu.memref_slice %arg6[%add3A_108, %dma_start3A_333] : memref<512x64xf32, #tpu.memory_space<vmem>> -> memref<1x64xf32, #tpu.memory_space<vmem>>
      %dma_start3A_335 = arith.constant 0 : i32
      %dma_start3A_336 = tpu.memref_slice %arg2[%squeeze3A_104, %dma_start3A_335] : memref<1000001x64xf32, #tpu.memory_space<hbm>> -> memref<1x64xf32, #tpu.memory_space<hbm>>
      tpu.enqueue_dma source(%dma_start3A_336 : memref<1x64xf32, #tpu.memory_space<hbm>>) target(%dma_start3A_334 : memref<1x64xf32, #tpu.memory_space<vmem>>) target_semaphore(%arg7 : memref<!tpu.dma_semaphore, #tpu.memory_space<semaphore_mem>>)
      %dma_start3A_337 = arith.constant 0 : i32
      %dma_start3A_338 = tpu.memref_slice %arg6[%add3A_119, %dma_start3A_337] : memref<512x64xf32, #tpu.memory_space<vmem>> -> memref<1x64xf32, #tpu.memory_space<vmem>>
      %dma_start3A_339 = arith.constant 0 : i32
      %dma_start3A_340 = tpu.memref_slice %arg2[%squeeze3A_115, %dma_start3A_339] : memref<1000001x64xf32, #tpu.memory_space<hbm>> -> memref<1x64xf32, #tpu.memory_space<hbm>>
      %dma_start3A_341 = arith.constant 0 : i32
      %dma_start3A_342 = tpu.memref_slice %arg6[%add3A_119, %dma_start3A_341] : memref<512x64xf32, #tpu.memory_space<vmem>> -> memref<1x64xf32, #tpu.memory_space<vmem>>
      %dma_start3A_343 = arith.constant 0 : i32
      %dma_start3A_344 = tpu.memref_slice %arg2[%squeeze3A_115, %dma_start3A_343] : memref<1000001x64xf32, #tpu.memory_space<hbm>> -> memref<1x64xf32, #tpu.memory_space<hbm>>
      tpu.enqueue_dma source(%dma_start3A_344 : memref<1x64xf32, #tpu.memory_space<hbm>>) target(%dma_start3A_342 : memref<1x64xf32, #tpu.memory_space<vmem>>) target_semaphore(%arg7 : memref<!tpu.dma_semaphore, #tpu.memory_space<semaphore_mem>>)
      %dma_start3A_345 = arith.constant 0 : i32
      %dma_start3A_346 = tpu.memref_slice %arg6[%add3A_125, %dma_start3A_345] : memref<512x64xf32, #tpu.memory_space<vmem>> -> memref<1x64xf32, #tpu.memory_space<vmem>>
      %dma_start3A_347 = arith.constant 0 : i32
      %dma_start3A_348 = tpu.memref_slice %arg2[%squeeze3A_121, %dma_start3A_347] : memref<1000001x64xf32, #tpu.memory_space<hbm>> -> memref<1x64xf32, #tpu.memory_space<hbm>>
      %dma_start3A_349 = arith.constant 0 : i32
      %dma_start3A_350 = tpu.memref_slice %arg6[%add3A_125, %dma_start3A_349] : memref<512x64xf32, #tpu.memory_space<vmem>> -> memref<1x64xf32, #tpu.memory_space<vmem>>
      %dma_start3A_351 = arith.constant 0 : i32
      %dma_start3A_352 = tpu.memref_slice %arg2[%squeeze3A_121, %dma_start3A_351] : memref<1000001x64xf32, #tpu.memory_space<hbm>> -> memref<1x64xf32, #tpu.memory_space<hbm>>
      tpu.enqueue_dma source(%dma_start3A_352 : memref<1x64xf32, #tpu.memory_space<hbm>>) target(%dma_start3A_350 : memref<1x64xf32, #tpu.memory_space<vmem>>) target_semaphore(%arg7 : memref<!tpu.dma_semaphore, #tpu.memory_space<semaphore_mem>>)
      %dma_start3A_353 = arith.constant 0 : i32
      %dma_start3A_354 = tpu.memref_slice %arg6[%add3A_131, %dma_start3A_353] : memref<512x64xf32, #tpu.memory_space<vmem>> -> memref<1x64xf32, #tpu.memory_space<vmem>>
      %dma_start3A_355 = arith.constant 0 : i32
      %dma_start3A_356 = tpu.memref_slice %arg2[%squeeze3A_127, %dma_start3A_355] : memref<1000001x64xf32, #tpu.memory_space<hbm>> -> memref<1x64xf32, #tpu.memory_space<hbm>>
      %dma_start3A_357 = arith.constant 0 : i32
      %dma_start3A_358 = tpu.memref_slice %arg6[%add3A_131, %dma_start3A_357] : memref<512x64xf32, #tpu.memory_space<vmem>> -> memref<1x64xf32, #tpu.memory_space<vmem>>
      %dma_start3A_359 = arith.constant 0 : i32
      %dma_start3A_360 = tpu.memref_slice %arg2[%squeeze3A_127, %dma_start3A_359] : memref<1000001x64xf32, #tpu.memory_space<hbm>> -> memref<1x64xf32, #tpu.memory_space<hbm>>
      tpu.enqueue_dma source(%dma_start3A_360 : memref<1x64xf32, #tpu.memory_space<hbm>>) target(%dma_start3A_358 : memref<1x64xf32, #tpu.memory_space<vmem>>) target_semaphore(%arg7 : memref<!tpu.dma_semaphore, #tpu.memory_space<semaphore_mem>>)
      %dma_start3A_361 = arith.constant 0 : i32
      %dma_start3A_362 = tpu.memref_slice %arg6[%add3A_137, %dma_start3A_361] : memref<512x64xf32, #tpu.memory_space<vmem>> -> memref<1x64xf32, #tpu.memory_space<vmem>>
      %dma_start3A_363 = arith.constant 0 : i32
      %dma_start3A_364 = tpu.memref_slice %arg2[%squeeze3A_133, %dma_start3A_363] : memref<1000001x64xf32, #tpu.memory_space<hbm>> -> memref<1x64xf32, #tpu.memory_space<hbm>>
      %dma_start3A_365 = arith.constant 0 : i32
      %dma_start3A_366 = tpu.memref_slice %arg6[%add3A_137, %dma_start3A_365] : memref<512x64xf32, #tpu.memory_space<vmem>> -> memref<1x64xf32, #tpu.memory_space<vmem>>
      %dma_start3A_367 = arith.constant 0 : i32
      %dma_start3A_368 = tpu.memref_slice %arg2[%squeeze3A_133, %dma_start3A_367] : memref<1000001x64xf32, #tpu.memory_space<hbm>> -> memref<1x64xf32, #tpu.memory_space<hbm>>
      tpu.enqueue_dma source(%dma_start3A_368 : memref<1x64xf32, #tpu.memory_space<hbm>>) target(%dma_start3A_366 : memref<1x64xf32, #tpu.memory_space<vmem>>) target_semaphore(%arg7 : memref<!tpu.dma_semaphore, #tpu.memory_space<semaphore_mem>>)
      %dma_start3A_369 = arith.constant 0 : i32
      %dma_start3A_370 = tpu.memref_slice %arg6[%add3A_143, %dma_start3A_369] : memref<512x64xf32, #tpu.memory_space<vmem>> -> memref<1x64xf32, #tpu.memory_space<vmem>>
      %dma_start3A_371 = arith.constant 0 : i32
      %dma_start3A_372 = tpu.memref_slice %arg2[%squeeze3A_139, %dma_start3A_371] : memref<1000001x64xf32, #tpu.memory_space<hbm>> -> memref<1x64xf32, #tpu.memory_space<hbm>>
      %dma_start3A_373 = arith.constant 0 : i32
      %dma_start3A_374 = tpu.memref_slice %arg6[%add3A_143, %dma_start3A_373] : memref<512x64xf32, #tpu.memory_space<vmem>> -> memref<1x64xf32, #tpu.memory_space<vmem>>
      %dma_start3A_375 = arith.constant 0 : i32
      %dma_start3A_376 = tpu.memref_slice %arg2[%squeeze3A_139, %dma_start3A_375] : memref<1000001x64xf32, #tpu.memory_space<hbm>> -> memref<1x64xf32, #tpu.memory_space<hbm>>
      tpu.enqueue_dma source(%dma_start3A_376 : memref<1x64xf32, #tpu.memory_space<hbm>>) target(%dma_start3A_374 : memref<1x64xf32, #tpu.memory_space<vmem>>) target_semaphore(%arg7 : memref<!tpu.dma_semaphore, #tpu.memory_space<semaphore_mem>>)
      %dma_start3A_377 = arith.constant 0 : i32
      %dma_start3A_378 = tpu.memref_slice %arg6[%add3A_149, %dma_start3A_377] : memref<512x64xf32, #tpu.memory_space<vmem>> -> memref<1x64xf32, #tpu.memory_space<vmem>>
      %dma_start3A_379 = arith.constant 0 : i32
      %dma_start3A_380 = tpu.memref_slice %arg2[%squeeze3A_145, %dma_start3A_379] : memref<1000001x64xf32, #tpu.memory_space<hbm>> -> memref<1x64xf32, #tpu.memory_space<hbm>>
      %dma_start3A_381 = arith.constant 0 : i32
      %dma_start3A_382 = tpu.memref_slice %arg6[%add3A_149, %dma_start3A_381] : memref<512x64xf32, #tpu.memory_space<vmem>> -> memref<1x64xf32, #tpu.memory_space<vmem>>
      %dma_start3A_383 = arith.constant 0 : i32
      %dma_start3A_384 = tpu.memref_slice %arg2[%squeeze3A_145, %dma_start3A_383] : memref<1000001x64xf32, #tpu.memory_space<hbm>> -> memref<1x64xf32, #tpu.memory_space<hbm>>
      tpu.enqueue_dma source(%dma_start3A_384 : memref<1x64xf32, #tpu.memory_space<hbm>>) target(%dma_start3A_382 : memref<1x64xf32, #tpu.memory_space<vmem>>) target_semaphore(%arg7 : memref<!tpu.dma_semaphore, #tpu.memory_space<semaphore_mem>>)
      %dma_start3A_385 = arith.constant 0 : i32
      %dma_start3A_386 = tpu.memref_slice %arg6[%add3A_155, %dma_start3A_385] : memref<512x64xf32, #tpu.memory_space<vmem>> -> memref<1x64xf32, #tpu.memory_space<vmem>>
      %dma_start3A_387 = arith.constant 0 : i32
      %dma_start3A_388 = tpu.memref_slice %arg2[%squeeze3A_151, %dma_start3A_387] : memref<1000001x64xf32, #tpu.memory_space<hbm>> -> memref<1x64xf32, #tpu.memory_space<hbm>>
      %dma_start3A_389 = arith.constant 0 : i32
      %dma_start3A_390 = tpu.memref_slice %arg6[%add3A_155, %dma_start3A_389] : memref<512x64xf32, #tpu.memory_space<vmem>> -> memref<1x64xf32, #tpu.memory_space<vmem>>
      %dma_start3A_391 = arith.constant 0 : i32
      %dma_start3A_392 = tpu.memref_slice %arg2[%squeeze3A_151, %dma_start3A_391] : memref<1000001x64xf32, #tpu.memory_space<hbm>> -> memref<1x64xf32, #tpu.memory_space<hbm>>
      tpu.enqueue_dma source(%dma_start3A_392 : memref<1x64xf32, #tpu.memory_space<hbm>>) target(%dma_start3A_390 : memref<1x64xf32, #tpu.memory_space<vmem>>) target_semaphore(%arg7 : memref<!tpu.dma_semaphore, #tpu.memory_space<semaphore_mem>>)
      %dma_start3A_393 = arith.constant 0 : i32
      %dma_start3A_394 = tpu.memref_slice %arg6[%add3A_161, %dma_start3A_393] : memref<512x64xf32, #tpu.memory_space<vmem>> -> memref<1x64xf32, #tpu.memory_space<vmem>>
      %dma_start3A_395 = arith.constant 0 : i32
      %dma_start3A_396 = tpu.memref_slice %arg2[%squeeze3A_157, %dma_start3A_395] : memref<1000001x64xf32, #tpu.memory_space<hbm>> -> memref<1x64xf32, #tpu.memory_space<hbm>>
      %dma_start3A_397 = arith.constant 0 : i32
      %dma_start3A_398 = tpu.memref_slice %arg6[%add3A_161, %dma_start3A_397] : memref<512x64xf32, #tpu.memory_space<vmem>> -> memref<1x64xf32, #tpu.memory_space<vmem>>
      %dma_start3A_399 = arith.constant 0 : i32
      %dma_start3A_400 = tpu.memref_slice %arg2[%squeeze3A_157, %dma_start3A_399] : memref<1000001x64xf32, #tpu.memory_space<hbm>> -> memref<1x64xf32, #tpu.memory_space<hbm>>
      tpu.enqueue_dma source(%dma_start3A_400 : memref<1x64xf32, #tpu.memory_space<hbm>>) target(%dma_start3A_398 : memref<1x64xf32, #tpu.memory_space<vmem>>) target_semaphore(%arg7 : memref<!tpu.dma_semaphore, #tpu.memory_space<semaphore_mem>>)
      %dma_start3A_401 = arith.constant 0 : i32
      %dma_start3A_402 = tpu.memref_slice %arg6[%add3A_167, %dma_start3A_401] : memref<512x64xf32, #tpu.memory_space<vmem>> -> memref<1x64xf32, #tpu.memory_space<vmem>>
      %dma_start3A_403 = arith.constant 0 : i32
      %dma_start3A_404 = tpu.memref_slice %arg2[%squeeze3A_163, %dma_start3A_403] : memref<1000001x64xf32, #tpu.memory_space<hbm>> -> memref<1x64xf32, #tpu.memory_space<hbm>>
      %dma_start3A_405 = arith.constant 0 : i32
      %dma_start3A_406 = tpu.memref_slice %arg6[%add3A_167, %dma_start3A_405] : memref<512x64xf32, #tpu.memory_space<vmem>> -> memref<1x64xf32, #tpu.memory_space<vmem>>
      %dma_start3A_407 = arith.constant 0 : i32
      %dma_start3A_408 = tpu.memref_slice %arg2[%squeeze3A_163, %dma_start3A_407] : memref<1000001x64xf32, #tpu.memory_space<hbm>> -> memref<1x64xf32, #tpu.memory_space<hbm>>
      tpu.enqueue_dma source(%dma_start3A_408 : memref<1x64xf32, #tpu.memory_space<hbm>>) target(%dma_start3A_406 : memref<1x64xf32, #tpu.memory_space<vmem>>) target_semaphore(%arg7 : memref<!tpu.dma_semaphore, #tpu.memory_space<semaphore_mem>>)
      %dma_start3A_409 = arith.constant 0 : i32
      %dma_start3A_410 = tpu.memref_slice %arg6[%add3A_173, %dma_start3A_409] : memref<512x64xf32, #tpu.memory_space<vmem>> -> memref<1x64xf32, #tpu.memory_space<vmem>>
      %dma_start3A_411 = arith.constant 0 : i32
      %dma_start3A_412 = tpu.memref_slice %arg2[%squeeze3A_169, %dma_start3A_411] : memref<1000001x64xf32, #tpu.memory_space<hbm>> -> memref<1x64xf32, #tpu.memory_space<hbm>>
      %dma_start3A_413 = arith.constant 0 : i32
      %dma_start3A_414 = tpu.memref_slice %arg6[%add3A_173, %dma_start3A_413] : memref<512x64xf32, #tpu.memory_space<vmem>> -> memref<1x64xf32, #tpu.memory_space<vmem>>
      %dma_start3A_415 = arith.constant 0 : i32
      %dma_start3A_416 = tpu.memref_slice %arg2[%squeeze3A_169, %dma_start3A_415] : memref<1000001x64xf32, #tpu.memory_space<hbm>> -> memref<1x64xf32, #tpu.memory_space<hbm>>
      tpu.enqueue_dma source(%dma_start3A_416 : memref<1x64xf32, #tpu.memory_space<hbm>>) target(%dma_start3A_414 : memref<1x64xf32, #tpu.memory_space<vmem>>) target_semaphore(%arg7 : memref<!tpu.dma_semaphore, #tpu.memory_space<semaphore_mem>>)
      %dma_start3A_417 = arith.constant 0 : i32
      %dma_start3A_418 = tpu.memref_slice %arg6[%add3A_179, %dma_start3A_417] : memref<512x64xf32, #tpu.memory_space<vmem>> -> memref<1x64xf32, #tpu.memory_space<vmem>>
      %dma_start3A_419 = arith.constant 0 : i32
      %dma_start3A_420 = tpu.memref_slice %arg2[%squeeze3A_175, %dma_start3A_419] : memref<1000001x64xf32, #tpu.memory_space<hbm>> -> memref<1x64xf32, #tpu.memory_space<hbm>>
      %dma_start3A_421 = arith.constant 0 : i32
      %dma_start3A_422 = tpu.memref_slice %arg6[%add3A_179, %dma_start3A_421] : memref<512x64xf32, #tpu.memory_space<vmem>> -> memref<1x64xf32, #tpu.memory_space<vmem>>
      %dma_start3A_423 = arith.constant 0 : i32
      %dma_start3A_424 = tpu.memref_slice %arg2[%squeeze3A_175, %dma_start3A_423] : memref<1000001x64xf32, #tpu.memory_space<hbm>> -> memref<1x64xf32, #tpu.memory_space<hbm>>
      tpu.enqueue_dma source(%dma_start3A_424 : memref<1x64xf32, #tpu.memory_space<hbm>>) target(%dma_start3A_422 : memref<1x64xf32, #tpu.memory_space<vmem>>) target_semaphore(%arg7 : memref<!tpu.dma_semaphore, #tpu.memory_space<semaphore_mem>>)
      %dma_start3A_425 = arith.constant 0 : i32
      %dma_start3A_426 = tpu.memref_slice %arg6[%add3A_185, %dma_start3A_425] : memref<512x64xf32, #tpu.memory_space<vmem>> -> memref<1x64xf32, #tpu.memory_space<vmem>>
      %dma_start3A_427 = arith.constant 0 : i32
      %dma_start3A_428 = tpu.memref_slice %arg2[%squeeze3A_181, %dma_start3A_427] : memref<1000001x64xf32, #tpu.memory_space<hbm>> -> memref<1x64xf32, #tpu.memory_space<hbm>>
      %dma_start3A_429 = arith.constant 0 : i32
      %dma_start3A_430 = tpu.memref_slice %arg6[%add3A_185, %dma_start3A_429] : memref<512x64xf32, #tpu.memory_space<vmem>> -> memref<1x64xf32, #tpu.memory_space<vmem>>
      %dma_start3A_431 = arith.constant 0 : i32
      %dma_start3A_432 = tpu.memref_slice %arg2[%squeeze3A_181, %dma_start3A_431] : memref<1000001x64xf32, #tpu.memory_space<hbm>> -> memref<1x64xf32, #tpu.memory_space<hbm>>
      tpu.enqueue_dma source(%dma_start3A_432 : memref<1x64xf32, #tpu.memory_space<hbm>>) target(%dma_start3A_430 : memref<1x64xf32, #tpu.memory_space<vmem>>) target_semaphore(%arg7 : memref<!tpu.dma_semaphore, #tpu.memory_space<semaphore_mem>>)
      %dma_start3A_433 = arith.constant 0 : i32
      %dma_start3A_434 = tpu.memref_slice %arg6[%add3A_191, %dma_start3A_433] : memref<512x64xf32, #tpu.memory_space<vmem>> -> memref<1x64xf32, #tpu.memory_space<vmem>>
      %dma_start3A_435 = arith.constant 0 : i32
      %dma_start3A_436 = tpu.memref_slice %arg2[%squeeze3A_187, %dma_start3A_435] : memref<1000001x64xf32, #tpu.memory_space<hbm>> -> memref<1x64xf32, #tpu.memory_space<hbm>>
      %dma_start3A_437 = arith.constant 0 : i32
      %dma_start3A_438 = tpu.memref_slice %arg6[%add3A_191, %dma_start3A_437] : memref<512x64xf32, #tpu.memory_space<vmem>> -> memref<1x64xf32, #tpu.memory_space<vmem>>
      %dma_start3A_439 = arith.constant 0 : i32
      %dma_start3A_440 = tpu.memref_slice %arg2[%squeeze3A_187, %dma_start3A_439] : memref<1000001x64xf32, #tpu.memory_space<hbm>> -> memref<1x64xf32, #tpu.memory_space<hbm>>
      tpu.enqueue_dma source(%dma_start3A_440 : memref<1x64xf32, #tpu.memory_space<hbm>>) target(%dma_start3A_438 : memref<1x64xf32, #tpu.memory_space<vmem>>) target_semaphore(%arg7 : memref<!tpu.dma_semaphore, #tpu.memory_space<semaphore_mem>>)
      %dma_start3A_441 = arith.constant 0 : i32
      %dma_start3A_442 = tpu.memref_slice %arg6[%add3A_197, %dma_start3A_441] : memref<512x64xf32, #tpu.memory_space<vmem>> -> memref<1x64xf32, #tpu.memory_space<vmem>>
      %dma_start3A_443 = arith.constant 0 : i32
      %dma_start3A_444 = tpu.memref_slice %arg2[%squeeze3A_193, %dma_start3A_443] : memref<1000001x64xf32, #tpu.memory_space<hbm>> -> memref<1x64xf32, #tpu.memory_space<hbm>>
      %dma_start3A_445 = arith.constant 0 : i32
      %dma_start3A_446 = tpu.memref_slice %arg6[%add3A_197, %dma_start3A_445] : memref<512x64xf32, #tpu.memory_space<vmem>> -> memref<1x64xf32, #tpu.memory_space<vmem>>
      %dma_start3A_447 = arith.constant 0 : i32
      %dma_start3A_448 = tpu.memref_slice %arg2[%squeeze3A_193, %dma_start3A_447] : memref<1000001x64xf32, #tpu.memory_space<hbm>> -> memref<1x64xf32, #tpu.memory_space<hbm>>
      tpu.enqueue_dma source(%dma_start3A_448 : memref<1x64xf32, #tpu.memory_space<hbm>>) target(%dma_start3A_446 : memref<1x64xf32, #tpu.memory_space<vmem>>) target_semaphore(%arg7 : memref<!tpu.dma_semaphore, #tpu.memory_space<semaphore_mem>>)
      %dma_start3A_449 = arith.constant 0 : i32
      %dma_start3A_450 = tpu.memref_slice %arg6[%add3A_203, %dma_start3A_449] : memref<512x64xf32, #tpu.memory_space<vmem>> -> memref<1x64xf32, #tpu.memory_space<vmem>>
      %dma_start3A_451 = arith.constant 0 : i32
      %dma_start3A_452 = tpu.memref_slice %arg2[%squeeze3A_199, %dma_start3A_451] : memref<1000001x64xf32, #tpu.memory_space<hbm>> -> memref<1x64xf32, #tpu.memory_space<hbm>>
      %dma_start3A_453 = arith.constant 0 : i32
      %dma_start3A_454 = tpu.memref_slice %arg6[%add3A_203, %dma_start3A_453] : memref<512x64xf32, #tpu.memory_space<vmem>> -> memref<1x64xf32, #tpu.memory_space<vmem>>
      %dma_start3A_455 = arith.constant 0 : i32
      %dma_start3A_456 = tpu.memref_slice %arg2[%squeeze3A_199, %dma_start3A_455] : memref<1000001x64xf32, #tpu.memory_space<hbm>> -> memref<1x64xf32, #tpu.memory_space<hbm>>
      tpu.enqueue_dma source(%dma_start3A_456 : memref<1x64xf32, #tpu.memory_space<hbm>>) target(%dma_start3A_454 : memref<1x64xf32, #tpu.memory_space<vmem>>) target_semaphore(%arg7 : memref<!tpu.dma_semaphore, #tpu.memory_space<semaphore_mem>>)
      %dma_start3A_457 = arith.constant 0 : i32
      %dma_start3A_458 = tpu.memref_slice %arg6[%add3A_209, %dma_start3A_457] : memref<512x64xf32, #tpu.memory_space<vmem>> -> memref<1x64xf32, #tpu.memory_space<vmem>>
      %dma_start3A_459 = arith.constant 0 : i32
      %dma_start3A_460 = tpu.memref_slice %arg2[%squeeze3A_205, %dma_start3A_459] : memref<1000001x64xf32, #tpu.memory_space<hbm>> -> memref<1x64xf32, #tpu.memory_space<hbm>>
      %dma_start3A_461 = arith.constant 0 : i32
      %dma_start3A_462 = tpu.memref_slice %arg6[%add3A_209, %dma_start3A_461] : memref<512x64xf32, #tpu.memory_space<vmem>> -> memref<1x64xf32, #tpu.memory_space<vmem>>
      %dma_start3A_463 = arith.constant 0 : i32
      %dma_start3A_464 = tpu.memref_slice %arg2[%squeeze3A_205, %dma_start3A_463] : memref<1000001x64xf32, #tpu.memory_space<hbm>> -> memref<1x64xf32, #tpu.memory_space<hbm>>
      tpu.enqueue_dma source(%dma_start3A_464 : memref<1x64xf32, #tpu.memory_space<hbm>>) target(%dma_start3A_462 : memref<1x64xf32, #tpu.memory_space<vmem>>) target_semaphore(%arg7 : memref<!tpu.dma_semaphore, #tpu.memory_space<semaphore_mem>>)
      %dma_wait3A = arith.constant 0 : i32
      %dma_wait3A_465 = tpu.memref_slice %arg6[%add3A_18, %dma_wait3A] : memref<512x64xf32, #tpu.memory_space<vmem>> -> memref<1x64xf32, #tpu.memory_space<vmem>>
      %dma_wait3A_466 = arith.constant 0 : i32
      %dma_wait3A_467 = tpu.memref_slice %arg2[%squeeze3A, %dma_wait3A_466] : memref<1000001x64xf32, #tpu.memory_space<hbm>> -> memref<1x64xf32, #tpu.memory_space<hbm>>
      %dma_wait3A_468 = arith.constant 0 : i32
      %dma_wait3A_469 = tpu.memref_slice %arg6[%add3A_18, %dma_wait3A_468] : memref<512x64xf32, #tpu.memory_space<vmem>> -> memref<1x64xf32, #tpu.memory_space<vmem>>
      %dma_wait3A_470 = arith.constant 0 : i32
      %dma_wait3A_471 = tpu.memref_slice %arg2[%squeeze3A, %dma_wait3A_470] : memref<1000001x64xf32, #tpu.memory_space<hbm>> -> memref<1x64xf32, #tpu.memory_space<hbm>>
      tpu.wait_dma2 semaphore(%arg7 : memref<!tpu.dma_semaphore, #tpu.memory_space<semaphore_mem>>) src(%dma_wait3A_471 : memref<1x64xf32, #tpu.memory_space<hbm>>) dst(%dma_wait3A_469 : memref<1x64xf32, #tpu.memory_space<vmem>>)
      %dma_wait3A_472 = arith.constant 0 : i32
      %dma_wait3A_473 = tpu.memref_slice %arg6[%add3A_24, %dma_wait3A_472] : memref<512x64xf32, #tpu.memory_space<vmem>> -> memref<1x64xf32, #tpu.memory_space<vmem>>
      %dma_wait3A_474 = arith.constant 0 : i32
      %dma_wait3A_475 = tpu.memref_slice %arg2[%squeeze3A_20, %dma_wait3A_474] : memref<1000001x64xf32, #tpu.memory_space<hbm>> -> memref<1x64xf32, #tpu.memory_space<hbm>>
      %dma_wait3A_476 = arith.constant 0 : i32
      %dma_wait3A_477 = tpu.memref_slice %arg6[%add3A_24, %dma_wait3A_476] : memref<512x64xf32, #tpu.memory_space<vmem>> -> memref<1x64xf32, #tpu.memory_space<vmem>>
      %dma_wait3A_478 = arith.constant 0 : i32
      %dma_wait3A_479 = tpu.memref_slice %arg2[%squeeze3A_20, %dma_wait3A_478] : memref<1000001x64xf32, #tpu.memory_space<hbm>> -> memref<1x64xf32, #tpu.memory_space<hbm>>
      tpu.wait_dma2 semaphore(%arg7 : memref<!tpu.dma_semaphore, #tpu.memory_space<semaphore_mem>>) src(%dma_wait3A_479 : memref<1x64xf32, #tpu.memory_space<hbm>>) dst(%dma_wait3A_477 : memref<1x64xf32, #tpu.memory_space<vmem>>)
      %dma_wait3A_480 = arith.constant 0 : i32
      %dma_wait3A_481 = tpu.memref_slice %arg6[%add3A_30, %dma_wait3A_480] : memref<512x64xf32, #tpu.memory_space<vmem>> -> memref<1x64xf32, #tpu.memory_space<vmem>>
      %dma_wait3A_482 = arith.constant 0 : i32
      %dma_wait3A_483 = tpu.memref_slice %arg2[%squeeze3A_26, %dma_wait3A_482] : memref<1000001x64xf32, #tpu.memory_space<hbm>> -> memref<1x64xf32, #tpu.memory_space<hbm>>
      %dma_wait3A_484 = arith.constant 0 : i32
      %dma_wait3A_485 = tpu.memref_slice %arg6[%add3A_30, %dma_wait3A_484] : memref<512x64xf32, #tpu.memory_space<vmem>> -> memref<1x64xf32, #tpu.memory_space<vmem>>
      %dma_wait3A_486 = arith.constant 0 : i32
      %dma_wait3A_487 = tpu.memref_slice %arg2[%squeeze3A_26, %dma_wait3A_486] : memref<1000001x64xf32, #tpu.memory_space<hbm>> -> memref<1x64xf32, #tpu.memory_space<hbm>>
      tpu.wait_dma2 semaphore(%arg7 : memref<!tpu.dma_semaphore, #tpu.memory_space<semaphore_mem>>) src(%dma_wait3A_487 : memref<1x64xf32, #tpu.memory_space<hbm>>) dst(%dma_wait3A_485 : memref<1x64xf32, #tpu.memory_space<vmem>>)
      %dma_wait3A_488 = arith.constant 0 : i32
      %dma_wait3A_489 = tpu.memref_slice %arg6[%add3A_36, %dma_wait3A_488] : memref<512x64xf32, #tpu.memory_space<vmem>> -> memref<1x64xf32, #tpu.memory_space<vmem>>
      %dma_wait3A_490 = arith.constant 0 : i32
      %dma_wait3A_491 = tpu.memref_slice %arg2[%squeeze3A_32, %dma_wait3A_490] : memref<1000001x64xf32, #tpu.memory_space<hbm>> -> memref<1x64xf32, #tpu.memory_space<hbm>>
      %dma_wait3A_492 = arith.constant 0 : i32
      %dma_wait3A_493 = tpu.memref_slice %arg6[%add3A_36, %dma_wait3A_492] : memref<512x64xf32, #tpu.memory_space<vmem>> -> memref<1x64xf32, #tpu.memory_space<vmem>>
      %dma_wait3A_494 = arith.constant 0 : i32
      %dma_wait3A_495 = tpu.memref_slice %arg2[%squeeze3A_32, %dma_wait3A_494] : memref<1000001x64xf32, #tpu.memory_space<hbm>> -> memref<1x64xf32, #tpu.memory_space<hbm>>
      tpu.wait_dma2 semaphore(%arg7 : memref<!tpu.dma_semaphore, #tpu.memory_space<semaphore_mem>>) src(%dma_wait3A_495 : memref<1x64xf32, #tpu.memory_space<hbm>>) dst(%dma_wait3A_493 : memref<1x64xf32, #tpu.memory_space<vmem>>)
      %dma_wait3A_496 = arith.constant 0 : i32
      %dma_wait3A_497 = tpu.memref_slice %arg6[%add3A_42, %dma_wait3A_496] : memref<512x64xf32, #tpu.memory_space<vmem>> -> memref<1x64xf32, #tpu.memory_space<vmem>>
      %dma_wait3A_498 = arith.constant 0 : i32
      %dma_wait3A_499 = tpu.memref_slice %arg2[%squeeze3A_38, %dma_wait3A_498] : memref<1000001x64xf32, #tpu.memory_space<hbm>> -> memref<1x64xf32, #tpu.memory_space<hbm>>
      %dma_wait3A_500 = arith.constant 0 : i32
      %dma_wait3A_501 = tpu.memref_slice %arg6[%add3A_42, %dma_wait3A_500] : memref<512x64xf32, #tpu.memory_space<vmem>> -> memref<1x64xf32, #tpu.memory_space<vmem>>
      %dma_wait3A_502 = arith.constant 0 : i32
      %dma_wait3A_503 = tpu.memref_slice %arg2[%squeeze3A_38, %dma_wait3A_502] : memref<1000001x64xf32, #tpu.memory_space<hbm>> -> memref<1x64xf32, #tpu.memory_space<hbm>>
      tpu.wait_dma2 semaphore(%arg7 : memref<!tpu.dma_semaphore, #tpu.memory_space<semaphore_mem>>) src(%dma_wait3A_503 : memref<1x64xf32, #tpu.memory_space<hbm>>) dst(%dma_wait3A_501 : memref<1x64xf32, #tpu.memory_space<vmem>>)
      %dma_wait3A_504 = arith.constant 0 : i32
      %dma_wait3A_505 = tpu.memref_slice %arg6[%add3A_48, %dma_wait3A_504] : memref<512x64xf32, #tpu.memory_space<vmem>> -> memref<1x64xf32, #tpu.memory_space<vmem>>
      %dma_wait3A_506 = arith.constant 0 : i32
      %dma_wait3A_507 = tpu.memref_slice %arg2[%squeeze3A_44, %dma_wait3A_506] : memref<1000001x64xf32, #tpu.memory_space<hbm>> -> memref<1x64xf32, #tpu.memory_space<hbm>>
      %dma_wait3A_508 = arith.constant 0 : i32
      %dma_wait3A_509 = tpu.memref_slice %arg6[%add3A_48, %dma_wait3A_508] : memref<512x64xf32, #tpu.memory_space<vmem>> -> memref<1x64xf32, #tpu.memory_space<vmem>>
      %dma_wait3A_510 = arith.constant 0 : i32
      %dma_wait3A_511 = tpu.memref_slice %arg2[%squeeze3A_44, %dma_wait3A_510] : memref<1000001x64xf32, #tpu.memory_space<hbm>> -> memref<1x64xf32, #tpu.memory_space<hbm>>
      tpu.wait_dma2 semaphore(%arg7 : memref<!tpu.dma_semaphore, #tpu.memory_space<semaphore_mem>>) src(%dma_wait3A_511 : memref<1x64xf32, #tpu.memory_space<hbm>>) dst(%dma_wait3A_509 : memref<1x64xf32, #tpu.memory_space<vmem>>)
      %dma_wait3A_512 = arith.constant 0 : i32
      %dma_wait3A_513 = tpu.memref_slice %arg6[%add3A_54, %dma_wait3A_512] : memref<512x64xf32, #tpu.memory_space<vmem>> -> memref<1x64xf32, #tpu.memory_space<vmem>>
      %dma_wait3A_514 = arith.constant 0 : i32
      %dma_wait3A_515 = tpu.memref_slice %arg2[%squeeze3A_50, %dma_wait3A_514] : memref<1000001x64xf32, #tpu.memory_space<hbm>> -> memref<1x64xf32, #tpu.memory_space<hbm>>
      %dma_wait3A_516 = arith.constant 0 : i32
      %dma_wait3A_517 = tpu.memref_slice %arg6[%add3A_54, %dma_wait3A_516] : memref<512x64xf32, #tpu.memory_space<vmem>> -> memref<1x64xf32, #tpu.memory_space<vmem>>
      %dma_wait3A_518 = arith.constant 0 : i32
      %dma_wait3A_519 = tpu.memref_slice %arg2[%squeeze3A_50, %dma_wait3A_518] : memref<1000001x64xf32, #tpu.memory_space<hbm>> -> memref<1x64xf32, #tpu.memory_space<hbm>>
      tpu.wait_dma2 semaphore(%arg7 : memref<!tpu.dma_semaphore, #tpu.memory_space<semaphore_mem>>) src(%dma_wait3A_519 : memref<1x64xf32, #tpu.memory_space<hbm>>) dst(%dma_wait3A_517 : memref<1x64xf32, #tpu.memory_space<vmem>>)
      %dma_wait3A_520 = arith.constant 0 : i32
      %dma_wait3A_521 = tpu.memref_slice %arg6[%add3A_60, %dma_wait3A_520] : memref<512x64xf32, #tpu.memory_space<vmem>> -> memref<1x64xf32, #tpu.memory_space<vmem>>
      %dma_wait3A_522 = arith.constant 0 : i32
      %dma_wait3A_523 = tpu.memref_slice %arg2[%squeeze3A_56, %dma_wait3A_522] : memref<1000001x64xf32, #tpu.memory_space<hbm>> -> memref<1x64xf32, #tpu.memory_space<hbm>>
      %dma_wait3A_524 = arith.constant 0 : i32
      %dma_wait3A_525 = tpu.memref_slice %arg6[%add3A_60, %dma_wait3A_524] : memref<512x64xf32, #tpu.memory_space<vmem>> -> memref<1x64xf32, #tpu.memory_space<vmem>>
      %dma_wait3A_526 = arith.constant 0 : i32
      %dma_wait3A_527 = tpu.memref_slice %arg2[%squeeze3A_56, %dma_wait3A_526] : memref<1000001x64xf32, #tpu.memory_space<hbm>> -> memref<1x64xf32, #tpu.memory_space<hbm>>
      tpu.wait_dma2 semaphore(%arg7 : memref<!tpu.dma_semaphore, #tpu.memory_space<semaphore_mem>>) src(%dma_wait3A_527 : memref<1x64xf32, #tpu.memory_space<hbm>>) dst(%dma_wait3A_525 : memref<1x64xf32, #tpu.memory_space<vmem>>)
      %dma_wait3A_528 = arith.constant 0 : i32
      %dma_wait3A_529 = tpu.memref_slice %arg6[%add3A_66, %dma_wait3A_528] : memref<512x64xf32, #tpu.memory_space<vmem>> -> memref<1x64xf32, #tpu.memory_space<vmem>>
      %dma_wait3A_530 = arith.constant 0 : i32
      %dma_wait3A_531 = tpu.memref_slice %arg2[%squeeze3A_62, %dma_wait3A_530] : memref<1000001x64xf32, #tpu.memory_space<hbm>> -> memref<1x64xf32, #tpu.memory_space<hbm>>
      %dma_wait3A_532 = arith.constant 0 : i32
      %dma_wait3A_533 = tpu.memref_slice %arg6[%add3A_66, %dma_wait3A_532] : memref<512x64xf32, #tpu.memory_space<vmem>> -> memref<1x64xf32, #tpu.memory_space<vmem>>
      %dma_wait3A_534 = arith.constant 0 : i32
      %dma_wait3A_535 = tpu.memref_slice %arg2[%squeeze3A_62, %dma_wait3A_534] : memref<1000001x64xf32, #tpu.memory_space<hbm>> -> memref<1x64xf32, #tpu.memory_space<hbm>>
      tpu.wait_dma2 semaphore(%arg7 : memref<!tpu.dma_semaphore, #tpu.memory_space<semaphore_mem>>) src(%dma_wait3A_535 : memref<1x64xf32, #tpu.memory_space<hbm>>) dst(%dma_wait3A_533 : memref<1x64xf32, #tpu.memory_space<vmem>>)
      %dma_wait3A_536 = arith.constant 0 : i32
      %dma_wait3A_537 = tpu.memref_slice %arg6[%add3A_72, %dma_wait3A_536] : memref<512x64xf32, #tpu.memory_space<vmem>> -> memref<1x64xf32, #tpu.memory_space<vmem>>
      %dma_wait3A_538 = arith.constant 0 : i32
      %dma_wait3A_539 = tpu.memref_slice %arg2[%squeeze3A_68, %dma_wait3A_538] : memref<1000001x64xf32, #tpu.memory_space<hbm>> -> memref<1x64xf32, #tpu.memory_space<hbm>>
      %dma_wait3A_540 = arith.constant 0 : i32
      %dma_wait3A_541 = tpu.memref_slice %arg6[%add3A_72, %dma_wait3A_540] : memref<512x64xf32, #tpu.memory_space<vmem>> -> memref<1x64xf32, #tpu.memory_space<vmem>>
      %dma_wait3A_542 = arith.constant 0 : i32
      %dma_wait3A_543 = tpu.memref_slice %arg2[%squeeze3A_68, %dma_wait3A_542] : memref<1000001x64xf32, #tpu.memory_space<hbm>> -> memref<1x64xf32, #tpu.memory_space<hbm>>
      tpu.wait_dma2 semaphore(%arg7 : memref<!tpu.dma_semaphore, #tpu.memory_space<semaphore_mem>>) src(%dma_wait3A_543 : memref<1x64xf32, #tpu.memory_space<hbm>>) dst(%dma_wait3A_541 : memref<1x64xf32, #tpu.memory_space<vmem>>)
      %dma_wait3A_544 = arith.constant 0 : i32
      %dma_wait3A_545 = tpu.memref_slice %arg6[%add3A_78, %dma_wait3A_544] : memref<512x64xf32, #tpu.memory_space<vmem>> -> memref<1x64xf32, #tpu.memory_space<vmem>>
      %dma_wait3A_546 = arith.constant 0 : i32
      %dma_wait3A_547 = tpu.memref_slice %arg2[%squeeze3A_74, %dma_wait3A_546] : memref<1000001x64xf32, #tpu.memory_space<hbm>> -> memref<1x64xf32, #tpu.memory_space<hbm>>
      %dma_wait3A_548 = arith.constant 0 : i32
      %dma_wait3A_549 = tpu.memref_slice %arg6[%add3A_78, %dma_wait3A_548] : memref<512x64xf32, #tpu.memory_space<vmem>> -> memref<1x64xf32, #tpu.memory_space<vmem>>
      %dma_wait3A_550 = arith.constant 0 : i32
      %dma_wait3A_551 = tpu.memref_slice %arg2[%squeeze3A_74, %dma_wait3A_550] : memref<1000001x64xf32, #tpu.memory_space<hbm>> -> memref<1x64xf32, #tpu.memory_space<hbm>>
      tpu.wait_dma2 semaphore(%arg7 : memref<!tpu.dma_semaphore, #tpu.memory_space<semaphore_mem>>) src(%dma_wait3A_551 : memref<1x64xf32, #tpu.memory_space<hbm>>) dst(%dma_wait3A_549 : memref<1x64xf32, #tpu.memory_space<vmem>>)
      %dma_wait3A_552 = arith.constant 0 : i32
      %dma_wait3A_553 = tpu.memref_slice %arg6[%add3A_84, %dma_wait3A_552] : memref<512x64xf32, #tpu.memory_space<vmem>> -> memref<1x64xf32, #tpu.memory_space<vmem>>
      %dma_wait3A_554 = arith.constant 0 : i32
      %dma_wait3A_555 = tpu.memref_slice %arg2[%squeeze3A_80, %dma_wait3A_554] : memref<1000001x64xf32, #tpu.memory_space<hbm>> -> memref<1x64xf32, #tpu.memory_space<hbm>>
      %dma_wait3A_556 = arith.constant 0 : i32
      %dma_wait3A_557 = tpu.memref_slice %arg6[%add3A_84, %dma_wait3A_556] : memref<512x64xf32, #tpu.memory_space<vmem>> -> memref<1x64xf32, #tpu.memory_space<vmem>>
      %dma_wait3A_558 = arith.constant 0 : i32
      %dma_wait3A_559 = tpu.memref_slice %arg2[%squeeze3A_80, %dma_wait3A_558] : memref<1000001x64xf32, #tpu.memory_space<hbm>> -> memref<1x64xf32, #tpu.memory_space<hbm>>
      tpu.wait_dma2 semaphore(%arg7 : memref<!tpu.dma_semaphore, #tpu.memory_space<semaphore_mem>>) src(%dma_wait3A_559 : memref<1x64xf32, #tpu.memory_space<hbm>>) dst(%dma_wait3A_557 : memref<1x64xf32, #tpu.memory_space<vmem>>)
      %dma_wait3A_560 = arith.constant 0 : i32
      %dma_wait3A_561 = tpu.memref_slice %arg6[%add3A_90, %dma_wait3A_560] : memref<512x64xf32, #tpu.memory_space<vmem>> -> memref<1x64xf32, #tpu.memory_space<vmem>>
      %dma_wait3A_562 = arith.constant 0 : i32
      %dma_wait3A_563 = tpu.memref_slice %arg2[%squeeze3A_86, %dma_wait3A_562] : memref<1000001x64xf32, #tpu.memory_space<hbm>> -> memref<1x64xf32, #tpu.memory_space<hbm>>
      %dma_wait3A_564 = arith.constant 0 : i32
      %dma_wait3A_565 = tpu.memref_slice %arg6[%add3A_90, %dma_wait3A_564] : memref<512x64xf32, #tpu.memory_space<vmem>> -> memref<1x64xf32, #tpu.memory_space<vmem>>
      %dma_wait3A_566 = arith.constant 0 : i32
      %dma_wait3A_567 = tpu.memref_slice %arg2[%squeeze3A_86, %dma_wait3A_566] : memref<1000001x64xf32, #tpu.memory_space<hbm>> -> memref<1x64xf32, #tpu.memory_space<hbm>>
      tpu.wait_dma2 semaphore(%arg7 : memref<!tpu.dma_semaphore, #tpu.memory_space<semaphore_mem>>) src(%dma_wait3A_567 : memref<1x64xf32, #tpu.memory_space<hbm>>) dst(%dma_wait3A_565 : memref<1x64xf32, #tpu.memory_space<vmem>>)
      %dma_wait3A_568 = arith.constant 0 : i32
      %dma_wait3A_569 = tpu.memref_slice %arg6[%add3A_96, %dma_wait3A_568] : memref<512x64xf32, #tpu.memory_space<vmem>> -> memref<1x64xf32, #tpu.memory_space<vmem>>
      %dma_wait3A_570 = arith.constant 0 : i32
      %dma_wait3A_571 = tpu.memref_slice %arg2[%squeeze3A_92, %dma_wait3A_570] : memref<1000001x64xf32, #tpu.memory_space<hbm>> -> memref<1x64xf32, #tpu.memory_space<hbm>>
      %dma_wait3A_572 = arith.constant 0 : i32
      %dma_wait3A_573 = tpu.memref_slice %arg6[%add3A_96, %dma_wait3A_572] : memref<512x64xf32, #tpu.memory_space<vmem>> -> memref<1x64xf32, #tpu.memory_space<vmem>>
      %dma_wait3A_574 = arith.constant 0 : i32
      %dma_wait3A_575 = tpu.memref_slice %arg2[%squeeze3A_92, %dma_wait3A_574] : memref<1000001x64xf32, #tpu.memory_space<hbm>> -> memref<1x64xf32, #tpu.memory_space<hbm>>
      tpu.wait_dma2 semaphore(%arg7 : memref<!tpu.dma_semaphore, #tpu.memory_space<semaphore_mem>>) src(%dma_wait3A_575 : memref<1x64xf32, #tpu.memory_space<hbm>>) dst(%dma_wait3A_573 : memref<1x64xf32, #tpu.memory_space<vmem>>)
      %dma_wait3A_576 = arith.constant 0 : i32
      %dma_wait3A_577 = tpu.memref_slice %arg6[%add3A_102, %dma_wait3A_576] : memref<512x64xf32, #tpu.memory_space<vmem>> -> memref<1x64xf32, #tpu.memory_space<vmem>>
      %dma_wait3A_578 = arith.constant 0 : i32
      %dma_wait3A_579 = tpu.memref_slice %arg2[%squeeze3A_98, %dma_wait3A_578] : memref<1000001x64xf32, #tpu.memory_space<hbm>> -> memref<1x64xf32, #tpu.memory_space<hbm>>
      %dma_wait3A_580 = arith.constant 0 : i32
      %dma_wait3A_581 = tpu.memref_slice %arg6[%add3A_102, %dma_wait3A_580] : memref<512x64xf32, #tpu.memory_space<vmem>> -> memref<1x64xf32, #tpu.memory_space<vmem>>
      %dma_wait3A_582 = arith.constant 0 : i32
      %dma_wait3A_583 = tpu.memref_slice %arg2[%squeeze3A_98, %dma_wait3A_582] : memref<1000001x64xf32, #tpu.memory_space<hbm>> -> memref<1x64xf32, #tpu.memory_space<hbm>>
      tpu.wait_dma2 semaphore(%arg7 : memref<!tpu.dma_semaphore, #tpu.memory_space<semaphore_mem>>) src(%dma_wait3A_583 : memref<1x64xf32, #tpu.memory_space<hbm>>) dst(%dma_wait3A_581 : memref<1x64xf32, #tpu.memory_space<vmem>>)
      %dma_wait3A_584 = arith.constant 0 : i32
      %dma_wait3A_585 = tpu.memref_slice %arg6[%add3A_108, %dma_wait3A_584] : memref<512x64xf32, #tpu.memory_space<vmem>> -> memref<1x64xf32, #tpu.memory_space<vmem>>
      %dma_wait3A_586 = arith.constant 0 : i32
      %dma_wait3A_587 = tpu.memref_slice %arg2[%squeeze3A_104, %dma_wait3A_586] : memref<1000001x64xf32, #tpu.memory_space<hbm>> -> memref<1x64xf32, #tpu.memory_space<hbm>>
      %dma_wait3A_588 = arith.constant 0 : i32
      %dma_wait3A_589 = tpu.memref_slice %arg6[%add3A_108, %dma_wait3A_588] : memref<512x64xf32, #tpu.memory_space<vmem>> -> memref<1x64xf32, #tpu.memory_space<vmem>>
      %dma_wait3A_590 = arith.constant 0 : i32
      %dma_wait3A_591 = tpu.memref_slice %arg2[%squeeze3A_104, %dma_wait3A_590] : memref<1000001x64xf32, #tpu.memory_space<hbm>> -> memref<1x64xf32, #tpu.memory_space<hbm>>
      tpu.wait_dma2 semaphore(%arg7 : memref<!tpu.dma_semaphore, #tpu.memory_space<semaphore_mem>>) src(%dma_wait3A_591 : memref<1x64xf32, #tpu.memory_space<hbm>>) dst(%dma_wait3A_589 : memref<1x64xf32, #tpu.memory_space<vmem>>)
      %dma_wait3A_592 = arith.constant 0 : i32
      %dma_wait3A_593 = tpu.memref_slice %arg6[%add3A_119, %dma_wait3A_592] : memref<512x64xf32, #tpu.memory_space<vmem>> -> memref<1x64xf32, #tpu.memory_space<vmem>>
      %dma_wait3A_594 = arith.constant 0 : i32
      %dma_wait3A_595 = tpu.memref_slice %arg2[%squeeze3A_115, %dma_wait3A_594] : memref<1000001x64xf32, #tpu.memory_space<hbm>> -> memref<1x64xf32, #tpu.memory_space<hbm>>
      %dma_wait3A_596 = arith.constant 0 : i32
      %dma_wait3A_597 = tpu.memref_slice %arg6[%add3A_119, %dma_wait3A_596] : memref<512x64xf32, #tpu.memory_space<vmem>> -> memref<1x64xf32, #tpu.memory_space<vmem>>
      %dma_wait3A_598 = arith.constant 0 : i32
      %dma_wait3A_599 = tpu.memref_slice %arg2[%squeeze3A_115, %dma_wait3A_598] : memref<1000001x64xf32, #tpu.memory_space<hbm>> -> memref<1x64xf32, #tpu.memory_space<hbm>>
      tpu.wait_dma2 semaphore(%arg7 : memref<!tpu.dma_semaphore, #tpu.memory_space<semaphore_mem>>) src(%dma_wait3A_599 : memref<1x64xf32, #tpu.memory_space<hbm>>) dst(%dma_wait3A_597 : memref<1x64xf32, #tpu.memory_space<vmem>>)
      %dma_wait3A_600 = arith.constant 0 : i32
      %dma_wait3A_601 = tpu.memref_slice %arg6[%add3A_125, %dma_wait3A_600] : memref<512x64xf32, #tpu.memory_space<vmem>> -> memref<1x64xf32, #tpu.memory_space<vmem>>
      %dma_wait3A_602 = arith.constant 0 : i32
      %dma_wait3A_603 = tpu.memref_slice %arg2[%squeeze3A_121, %dma_wait3A_602] : memref<1000001x64xf32, #tpu.memory_space<hbm>> -> memref<1x64xf32, #tpu.memory_space<hbm>>
      %dma_wait3A_604 = arith.constant 0 : i32
      %dma_wait3A_605 = tpu.memref_slice %arg6[%add3A_125, %dma_wait3A_604] : memref<512x64xf32, #tpu.memory_space<vmem>> -> memref<1x64xf32, #tpu.memory_space<vmem>>
      %dma_wait3A_606 = arith.constant 0 : i32
      %dma_wait3A_607 = tpu.memref_slice %arg2[%squeeze3A_121, %dma_wait3A_606] : memref<1000001x64xf32, #tpu.memory_space<hbm>> -> memref<1x64xf32, #tpu.memory_space<hbm>>
      tpu.wait_dma2 semaphore(%arg7 : memref<!tpu.dma_semaphore, #tpu.memory_space<semaphore_mem>>) src(%dma_wait3A_607 : memref<1x64xf32, #tpu.memory_space<hbm>>) dst(%dma_wait3A_605 : memref<1x64xf32, #tpu.memory_space<vmem>>)
      %dma_wait3A_608 = arith.constant 0 : i32
      %dma_wait3A_609 = tpu.memref_slice %arg6[%add3A_131, %dma_wait3A_608] : memref<512x64xf32, #tpu.memory_space<vmem>> -> memref<1x64xf32, #tpu.memory_space<vmem>>
      %dma_wait3A_610 = arith.constant 0 : i32
      %dma_wait3A_611 = tpu.memref_slice %arg2[%squeeze3A_127, %dma_wait3A_610] : memref<1000001x64xf32, #tpu.memory_space<hbm>> -> memref<1x64xf32, #tpu.memory_space<hbm>>
      %dma_wait3A_612 = arith.constant 0 : i32
      %dma_wait3A_613 = tpu.memref_slice %arg6[%add3A_131, %dma_wait3A_612] : memref<512x64xf32, #tpu.memory_space<vmem>> -> memref<1x64xf32, #tpu.memory_space<vmem>>
      %dma_wait3A_614 = arith.constant 0 : i32
      %dma_wait3A_615 = tpu.memref_slice %arg2[%squeeze3A_127, %dma_wait3A_614] : memref<1000001x64xf32, #tpu.memory_space<hbm>> -> memref<1x64xf32, #tpu.memory_space<hbm>>
      tpu.wait_dma2 semaphore(%arg7 : memref<!tpu.dma_semaphore, #tpu.memory_space<semaphore_mem>>) src(%dma_wait3A_615 : memref<1x64xf32, #tpu.memory_space<hbm>>) dst(%dma_wait3A_613 : memref<1x64xf32, #tpu.memory_space<vmem>>)
      %dma_wait3A_616 = arith.constant 0 : i32
      %dma_wait3A_617 = tpu.memref_slice %arg6[%add3A_137, %dma_wait3A_616] : memref<512x64xf32, #tpu.memory_space<vmem>> -> memref<1x64xf32, #tpu.memory_space<vmem>>
      %dma_wait3A_618 = arith.constant 0 : i32
      %dma_wait3A_619 = tpu.memref_slice %arg2[%squeeze3A_133, %dma_wait3A_618] : memref<1000001x64xf32, #tpu.memory_space<hbm>> -> memref<1x64xf32, #tpu.memory_space<hbm>>
      %dma_wait3A_620 = arith.constant 0 : i32
      %dma_wait3A_621 = tpu.memref_slice %arg6[%add3A_137, %dma_wait3A_620] : memref<512x64xf32, #tpu.memory_space<vmem>> -> memref<1x64xf32, #tpu.memory_space<vmem>>
      %dma_wait3A_622 = arith.constant 0 : i32
      %dma_wait3A_623 = tpu.memref_slice %arg2[%squeeze3A_133, %dma_wait3A_622] : memref<1000001x64xf32, #tpu.memory_space<hbm>> -> memref<1x64xf32, #tpu.memory_space<hbm>>
      tpu.wait_dma2 semaphore(%arg7 : memref<!tpu.dma_semaphore, #tpu.memory_space<semaphore_mem>>) src(%dma_wait3A_623 : memref<1x64xf32, #tpu.memory_space<hbm>>) dst(%dma_wait3A_621 : memref<1x64xf32, #tpu.memory_space<vmem>>)
      %dma_wait3A_624 = arith.constant 0 : i32
      %dma_wait3A_625 = tpu.memref_slice %arg6[%add3A_143, %dma_wait3A_624] : memref<512x64xf32, #tpu.memory_space<vmem>> -> memref<1x64xf32, #tpu.memory_space<vmem>>
      %dma_wait3A_626 = arith.constant 0 : i32
      %dma_wait3A_627 = tpu.memref_slice %arg2[%squeeze3A_139, %dma_wait3A_626] : memref<1000001x64xf32, #tpu.memory_space<hbm>> -> memref<1x64xf32, #tpu.memory_space<hbm>>
      %dma_wait3A_628 = arith.constant 0 : i32
      %dma_wait3A_629 = tpu.memref_slice %arg6[%add3A_143, %dma_wait3A_628] : memref<512x64xf32, #tpu.memory_space<vmem>> -> memref<1x64xf32, #tpu.memory_space<vmem>>
      %dma_wait3A_630 = arith.constant 0 : i32
      %dma_wait3A_631 = tpu.memref_slice %arg2[%squeeze3A_139, %dma_wait3A_630] : memref<1000001x64xf32, #tpu.memory_space<hbm>> -> memref<1x64xf32, #tpu.memory_space<hbm>>
      tpu.wait_dma2 semaphore(%arg7 : memref<!tpu.dma_semaphore, #tpu.memory_space<semaphore_mem>>) src(%dma_wait3A_631 : memref<1x64xf32, #tpu.memory_space<hbm>>) dst(%dma_wait3A_629 : memref<1x64xf32, #tpu.memory_space<vmem>>)
      %dma_wait3A_632 = arith.constant 0 : i32
      %dma_wait3A_633 = tpu.memref_slice %arg6[%add3A_149, %dma_wait3A_632] : memref<512x64xf32, #tpu.memory_space<vmem>> -> memref<1x64xf32, #tpu.memory_space<vmem>>
      %dma_wait3A_634 = arith.constant 0 : i32
      %dma_wait3A_635 = tpu.memref_slice %arg2[%squeeze3A_145, %dma_wait3A_634] : memref<1000001x64xf32, #tpu.memory_space<hbm>> -> memref<1x64xf32, #tpu.memory_space<hbm>>
      %dma_wait3A_636 = arith.constant 0 : i32
      %dma_wait3A_637 = tpu.memref_slice %arg6[%add3A_149, %dma_wait3A_636] : memref<512x64xf32, #tpu.memory_space<vmem>> -> memref<1x64xf32, #tpu.memory_space<vmem>>
      %dma_wait3A_638 = arith.constant 0 : i32
      %dma_wait3A_639 = tpu.memref_slice %arg2[%squeeze3A_145, %dma_wait3A_638] : memref<1000001x64xf32, #tpu.memory_space<hbm>> -> memref<1x64xf32, #tpu.memory_space<hbm>>
      tpu.wait_dma2 semaphore(%arg7 : memref<!tpu.dma_semaphore, #tpu.memory_space<semaphore_mem>>) src(%dma_wait3A_639 : memref<1x64xf32, #tpu.memory_space<hbm>>) dst(%dma_wait3A_637 : memref<1x64xf32, #tpu.memory_space<vmem>>)
      %dma_wait3A_640 = arith.constant 0 : i32
      %dma_wait3A_641 = tpu.memref_slice %arg6[%add3A_155, %dma_wait3A_640] : memref<512x64xf32, #tpu.memory_space<vmem>> -> memref<1x64xf32, #tpu.memory_space<vmem>>
      %dma_wait3A_642 = arith.constant 0 : i32
      %dma_wait3A_643 = tpu.memref_slice %arg2[%squeeze3A_151, %dma_wait3A_642] : memref<1000001x64xf32, #tpu.memory_space<hbm>> -> memref<1x64xf32, #tpu.memory_space<hbm>>
      %dma_wait3A_644 = arith.constant 0 : i32
      %dma_wait3A_645 = tpu.memref_slice %arg6[%add3A_155, %dma_wait3A_644] : memref<512x64xf32, #tpu.memory_space<vmem>> -> memref<1x64xf32, #tpu.memory_space<vmem>>
      %dma_wait3A_646 = arith.constant 0 : i32
      %dma_wait3A_647 = tpu.memref_slice %arg2[%squeeze3A_151, %dma_wait3A_646] : memref<1000001x64xf32, #tpu.memory_space<hbm>> -> memref<1x64xf32, #tpu.memory_space<hbm>>
      tpu.wait_dma2 semaphore(%arg7 : memref<!tpu.dma_semaphore, #tpu.memory_space<semaphore_mem>>) src(%dma_wait3A_647 : memref<1x64xf32, #tpu.memory_space<hbm>>) dst(%dma_wait3A_645 : memref<1x64xf32, #tpu.memory_space<vmem>>)
      %dma_wait3A_648 = arith.constant 0 : i32
      %dma_wait3A_649 = tpu.memref_slice %arg6[%add3A_161, %dma_wait3A_648] : memref<512x64xf32, #tpu.memory_space<vmem>> -> memref<1x64xf32, #tpu.memory_space<vmem>>
      %dma_wait3A_650 = arith.constant 0 : i32
      %dma_wait3A_651 = tpu.memref_slice %arg2[%squeeze3A_157, %dma_wait3A_650] : memref<1000001x64xf32, #tpu.memory_space<hbm>> -> memref<1x64xf32, #tpu.memory_space<hbm>>
      %dma_wait3A_652 = arith.constant 0 : i32
      %dma_wait3A_653 = tpu.memref_slice %arg6[%add3A_161, %dma_wait3A_652] : memref<512x64xf32, #tpu.memory_space<vmem>> -> memref<1x64xf32, #tpu.memory_space<vmem>>
      %dma_wait3A_654 = arith.constant 0 : i32
      %dma_wait3A_655 = tpu.memref_slice %arg2[%squeeze3A_157, %dma_wait3A_654] : memref<1000001x64xf32, #tpu.memory_space<hbm>> -> memref<1x64xf32, #tpu.memory_space<hbm>>
      tpu.wait_dma2 semaphore(%arg7 : memref<!tpu.dma_semaphore, #tpu.memory_space<semaphore_mem>>) src(%dma_wait3A_655 : memref<1x64xf32, #tpu.memory_space<hbm>>) dst(%dma_wait3A_653 : memref<1x64xf32, #tpu.memory_space<vmem>>)
      %dma_wait3A_656 = arith.constant 0 : i32
      %dma_wait3A_657 = tpu.memref_slice %arg6[%add3A_167, %dma_wait3A_656] : memref<512x64xf32, #tpu.memory_space<vmem>> -> memref<1x64xf32, #tpu.memory_space<vmem>>
      %dma_wait3A_658 = arith.constant 0 : i32
      %dma_wait3A_659 = tpu.memref_slice %arg2[%squeeze3A_163, %dma_wait3A_658] : memref<1000001x64xf32, #tpu.memory_space<hbm>> -> memref<1x64xf32, #tpu.memory_space<hbm>>
      %dma_wait3A_660 = arith.constant 0 : i32
      %dma_wait3A_661 = tpu.memref_slice %arg6[%add3A_167, %dma_wait3A_660] : memref<512x64xf32, #tpu.memory_space<vmem>> -> memref<1x64xf32, #tpu.memory_space<vmem>>
      %dma_wait3A_662 = arith.constant 0 : i32
      %dma_wait3A_663 = tpu.memref_slice %arg2[%squeeze3A_163, %dma_wait3A_662] : memref<1000001x64xf32, #tpu.memory_space<hbm>> -> memref<1x64xf32, #tpu.memory_space<hbm>>
      tpu.wait_dma2 semaphore(%arg7 : memref<!tpu.dma_semaphore, #tpu.memory_space<semaphore_mem>>) src(%dma_wait3A_663 : memref<1x64xf32, #tpu.memory_space<hbm>>) dst(%dma_wait3A_661 : memref<1x64xf32, #tpu.memory_space<vmem>>)
      %dma_wait3A_664 = arith.constant 0 : i32
      %dma_wait3A_665 = tpu.memref_slice %arg6[%add3A_173, %dma_wait3A_664] : memref<512x64xf32, #tpu.memory_space<vmem>> -> memref<1x64xf32, #tpu.memory_space<vmem>>
      %dma_wait3A_666 = arith.constant 0 : i32
      %dma_wait3A_667 = tpu.memref_slice %arg2[%squeeze3A_169, %dma_wait3A_666] : memref<1000001x64xf32, #tpu.memory_space<hbm>> -> memref<1x64xf32, #tpu.memory_space<hbm>>
      %dma_wait3A_668 = arith.constant 0 : i32
      %dma_wait3A_669 = tpu.memref_slice %arg6[%add3A_173, %dma_wait3A_668] : memref<512x64xf32, #tpu.memory_space<vmem>> -> memref<1x64xf32, #tpu.memory_space<vmem>>
      %dma_wait3A_670 = arith.constant 0 : i32
      %dma_wait3A_671 = tpu.memref_slice %arg2[%squeeze3A_169, %dma_wait3A_670] : memref<1000001x64xf32, #tpu.memory_space<hbm>> -> memref<1x64xf32, #tpu.memory_space<hbm>>
      tpu.wait_dma2 semaphore(%arg7 : memref<!tpu.dma_semaphore, #tpu.memory_space<semaphore_mem>>) src(%dma_wait3A_671 : memref<1x64xf32, #tpu.memory_space<hbm>>) dst(%dma_wait3A_669 : memref<1x64xf32, #tpu.memory_space<vmem>>)
      %dma_wait3A_672 = arith.constant 0 : i32
      %dma_wait3A_673 = tpu.memref_slice %arg6[%add3A_179, %dma_wait3A_672] : memref<512x64xf32, #tpu.memory_space<vmem>> -> memref<1x64xf32, #tpu.memory_space<vmem>>
      %dma_wait3A_674 = arith.constant 0 : i32
      %dma_wait3A_675 = tpu.memref_slice %arg2[%squeeze3A_175, %dma_wait3A_674] : memref<1000001x64xf32, #tpu.memory_space<hbm>> -> memref<1x64xf32, #tpu.memory_space<hbm>>
      %dma_wait3A_676 = arith.constant 0 : i32
      %dma_wait3A_677 = tpu.memref_slice %arg6[%add3A_179, %dma_wait3A_676] : memref<512x64xf32, #tpu.memory_space<vmem>> -> memref<1x64xf32, #tpu.memory_space<vmem>>
      %dma_wait3A_678 = arith.constant 0 : i32
      %dma_wait3A_679 = tpu.memref_slice %arg2[%squeeze3A_175, %dma_wait3A_678] : memref<1000001x64xf32, #tpu.memory_space<hbm>> -> memref<1x64xf32, #tpu.memory_space<hbm>>
      tpu.wait_dma2 semaphore(%arg7 : memref<!tpu.dma_semaphore, #tpu.memory_space<semaphore_mem>>) src(%dma_wait3A_679 : memref<1x64xf32, #tpu.memory_space<hbm>>) dst(%dma_wait3A_677 : memref<1x64xf32, #tpu.memory_space<vmem>>)
      %dma_wait3A_680 = arith.constant 0 : i32
      %dma_wait3A_681 = tpu.memref_slice %arg6[%add3A_185, %dma_wait3A_680] : memref<512x64xf32, #tpu.memory_space<vmem>> -> memref<1x64xf32, #tpu.memory_space<vmem>>
      %dma_wait3A_682 = arith.constant 0 : i32
      %dma_wait3A_683 = tpu.memref_slice %arg2[%squeeze3A_181, %dma_wait3A_682] : memref<1000001x64xf32, #tpu.memory_space<hbm>> -> memref<1x64xf32, #tpu.memory_space<hbm>>
      %dma_wait3A_684 = arith.constant 0 : i32
      %dma_wait3A_685 = tpu.memref_slice %arg6[%add3A_185, %dma_wait3A_684] : memref<512x64xf32, #tpu.memory_space<vmem>> -> memref<1x64xf32, #tpu.memory_space<vmem>>
      %dma_wait3A_686 = arith.constant 0 : i32
      %dma_wait3A_687 = tpu.memref_slice %arg2[%squeeze3A_181, %dma_wait3A_686] : memref<1000001x64xf32, #tpu.memory_space<hbm>> -> memref<1x64xf32, #tpu.memory_space<hbm>>
      tpu.wait_dma2 semaphore(%arg7 : memref<!tpu.dma_semaphore, #tpu.memory_space<semaphore_mem>>) src(%dma_wait3A_687 : memref<1x64xf32, #tpu.memory_space<hbm>>) dst(%dma_wait3A_685 : memref<1x64xf32, #tpu.memory_space<vmem>>)
      %dma_wait3A_688 = arith.constant 0 : i32
      %dma_wait3A_689 = tpu.memref_slice %arg6[%add3A_191, %dma_wait3A_688] : memref<512x64xf32, #tpu.memory_space<vmem>> -> memref<1x64xf32, #tpu.memory_space<vmem>>
      %dma_wait3A_690 = arith.constant 0 : i32
      %dma_wait3A_691 = tpu.memref_slice %arg2[%squeeze3A_187, %dma_wait3A_690] : memref<1000001x64xf32, #tpu.memory_space<hbm>> -> memref<1x64xf32, #tpu.memory_space<hbm>>
      %dma_wait3A_692 = arith.constant 0 : i32
      %dma_wait3A_693 = tpu.memref_slice %arg6[%add3A_191, %dma_wait3A_692] : memref<512x64xf32, #tpu.memory_space<vmem>> -> memref<1x64xf32, #tpu.memory_space<vmem>>
      %dma_wait3A_694 = arith.constant 0 : i32
      %dma_wait3A_695 = tpu.memref_slice %arg2[%squeeze3A_187, %dma_wait3A_694] : memref<1000001x64xf32, #tpu.memory_space<hbm>> -> memref<1x64xf32, #tpu.memory_space<hbm>>
      tpu.wait_dma2 semaphore(%arg7 : memref<!tpu.dma_semaphore, #tpu.memory_space<semaphore_mem>>) src(%dma_wait3A_695 : memref<1x64xf32, #tpu.memory_space<hbm>>) dst(%dma_wait3A_693 : memref<1x64xf32, #tpu.memory_space<vmem>>)
      %dma_wait3A_696 = arith.constant 0 : i32
      %dma_wait3A_697 = tpu.memref_slice %arg6[%add3A_197, %dma_wait3A_696] : memref<512x64xf32, #tpu.memory_space<vmem>> -> memref<1x64xf32, #tpu.memory_space<vmem>>
      %dma_wait3A_698 = arith.constant 0 : i32
      %dma_wait3A_699 = tpu.memref_slice %arg2[%squeeze3A_193, %dma_wait3A_698] : memref<1000001x64xf32, #tpu.memory_space<hbm>> -> memref<1x64xf32, #tpu.memory_space<hbm>>
      %dma_wait3A_700 = arith.constant 0 : i32
      %dma_wait3A_701 = tpu.memref_slice %arg6[%add3A_197, %dma_wait3A_700] : memref<512x64xf32, #tpu.memory_space<vmem>> -> memref<1x64xf32, #tpu.memory_space<vmem>>
      %dma_wait3A_702 = arith.constant 0 : i32
      %dma_wait3A_703 = tpu.memref_slice %arg2[%squeeze3A_193, %dma_wait3A_702] : memref<1000001x64xf32, #tpu.memory_space<hbm>> -> memref<1x64xf32, #tpu.memory_space<hbm>>
      tpu.wait_dma2 semaphore(%arg7 : memref<!tpu.dma_semaphore, #tpu.memory_space<semaphore_mem>>) src(%dma_wait3A_703 : memref<1x64xf32, #tpu.memory_space<hbm>>) dst(%dma_wait3A_701 : memref<1x64xf32, #tpu.memory_space<vmem>>)
      %dma_wait3A_704 = arith.constant 0 : i32
      %dma_wait3A_705 = tpu.memref_slice %arg6[%add3A_203, %dma_wait3A_704] : memref<512x64xf32, #tpu.memory_space<vmem>> -> memref<1x64xf32, #tpu.memory_space<vmem>>
      %dma_wait3A_706 = arith.constant 0 : i32
      %dma_wait3A_707 = tpu.memref_slice %arg2[%squeeze3A_199, %dma_wait3A_706] : memref<1000001x64xf32, #tpu.memory_space<hbm>> -> memref<1x64xf32, #tpu.memory_space<hbm>>
      %dma_wait3A_708 = arith.constant 0 : i32
      %dma_wait3A_709 = tpu.memref_slice %arg6[%add3A_203, %dma_wait3A_708] : memref<512x64xf32, #tpu.memory_space<vmem>> -> memref<1x64xf32, #tpu.memory_space<vmem>>
      %dma_wait3A_710 = arith.constant 0 : i32
      %dma_wait3A_711 = tpu.memref_slice %arg2[%squeeze3A_199, %dma_wait3A_710] : memref<1000001x64xf32, #tpu.memory_space<hbm>> -> memref<1x64xf32, #tpu.memory_space<hbm>>
      tpu.wait_dma2 semaphore(%arg7 : memref<!tpu.dma_semaphore, #tpu.memory_space<semaphore_mem>>) src(%dma_wait3A_711 : memref<1x64xf32, #tpu.memory_space<hbm>>) dst(%dma_wait3A_709 : memref<1x64xf32, #tpu.memory_space<vmem>>)
      %dma_wait3A_712 = arith.constant 0 : i32
      %dma_wait3A_713 = tpu.memref_slice %arg6[%add3A_209, %dma_wait3A_712] : memref<512x64xf32, #tpu.memory_space<vmem>> -> memref<1x64xf32, #tpu.memory_space<vmem>>
      %dma_wait3A_714 = arith.constant 0 : i32
      %dma_wait3A_715 = tpu.memref_slice %arg2[%squeeze3A_205, %dma_wait3A_714] : memref<1000001x64xf32, #tpu.memory_space<hbm>> -> memref<1x64xf32, #tpu.memory_space<hbm>>
      %dma_wait3A_716 = arith.constant 0 : i32
      %dma_wait3A_717 = tpu.memref_slice %arg6[%add3A_209, %dma_wait3A_716] : memref<512x64xf32, #tpu.memory_space<vmem>> -> memref<1x64xf32, #tpu.memory_space<vmem>>
      %dma_wait3A_718 = arith.constant 0 : i32
      %dma_wait3A_719 = tpu.memref_slice %arg2[%squeeze3A_205, %dma_wait3A_718] : memref<1000001x64xf32, #tpu.memory_space<hbm>> -> memref<1x64xf32, #tpu.memory_space<hbm>>
      tpu.wait_dma2 semaphore(%arg7 : memref<!tpu.dma_semaphore, #tpu.memory_space<semaphore_mem>>) src(%dma_wait3A_719 : memref<1x64xf32, #tpu.memory_space<hbm>>) dst(%dma_wait3A_717 : memref<1x64xf32, #tpu.memory_space<vmem>>)
    }
    %scan3A_7 = arith.constant 16 : i32
    "tpu.region"() ({
      %run_scoped3A = tpu.sem_alloc : memref<!tpu.dma_semaphore, #tpu.memory_space<semaphore_mem>>
      %dma_start3A = arith.constant 0 : i32
      %dma_start3A_8 = tpu.memref_slice %arg4[%mul3A_2, %dma_start3A] : memref<16384x64xf32, #tpu.memory_space<hbm>> -> memref<512x64xf32, #tpu.memory_space<hbm>>
      %dma_start3A_9 = arith.constant 0 : i32
      %dma_start3A_10 = tpu.memref_slice %arg4[%mul3A_2, %dma_start3A_9] : memref<16384x64xf32, #tpu.memory_space<hbm>> -> memref<512x64xf32, #tpu.memory_space<hbm>>
      tpu.enqueue_dma source(%arg6 : memref<512x64xf32, #tpu.memory_space<vmem>>) target(%dma_start3A_10 : memref<512x64xf32, #tpu.memory_space<hbm>>) target_semaphore(%run_scoped3A : memref<!tpu.dma_semaphore, #tpu.memory_space<semaphore_mem>>)
      %dma_wait3A = arith.constant 0 : i32
      %dma_wait3A_11 = tpu.memref_slice %arg4[%mul3A_2, %dma_wait3A] : memref<16384x64xf32, #tpu.memory_space<hbm>> -> memref<512x64xf32, #tpu.memory_space<hbm>>
      %dma_wait3A_12 = arith.constant 0 : i32
      %dma_wait3A_13 = tpu.memref_slice %arg4[%mul3A_2, %dma_wait3A_12] : memref<16384x64xf32, #tpu.memory_space<hbm>> -> memref<512x64xf32, #tpu.memory_space<hbm>>
      tpu.wait_dma2 semaphore(%run_scoped3A : memref<!tpu.dma_semaphore, #tpu.memory_space<semaphore_mem>>) src(%arg6 : memref<512x64xf32, #tpu.memory_space<vmem>>) dst(%dma_wait3A_13 : memref<512x64xf32, #tpu.memory_space<hbm>>)
      tpu.yield
    }) : () -> ()
    return
  }
}

module attributes {stable_mosaic.version = 14 : i64} {
  func.func @_combine_body(%arg0: i32, %arg1: memref<2x2048xf32, #tpu.memory_space<vmem>>, %arg2: memref<1x2048xf32, #tpu.memory_space<vmem>>, %arg3: memref<2048x64xf32, #tpu.memory_space<vmem>>, %arg4: memref<64x2xf32, #tpu.memory_space<vmem>>, %arg5: memref<64x1xf32, #tpu.memory_space<vmem>>, %arg6: memref<64x64xf32, #tpu.memory_space<vmem>>, %arg7: memref<64x1xf32, #tpu.memory_space<vmem>>, %arg8: memref<64x2048xf32, #tpu.memory_space<vmem>>) attributes {dimension_semantics = [#tpu.dimension_semantics<arbitrary>], iteration_bounds = array<i64: 8>, scalar_prefetch = 0 : i64, scratch_operands = 0 : i64, tpu.core_type = #tpu.core_type<tc>, window_params = [{transform_indices = @transform_0, window_bounds = array<i64: 2, 2048>}, {transform_indices = @transform_1, window_bounds = array<i64: 1, 2048>}, {transform_indices = @transform_2, window_bounds = array<i64: 2048, 64>}, {pipeline_mode = #tpu.pipeline_mode<synchronous>, transform_indices = @transform_3, window_bounds = array<i64: 64, 2>}, {pipeline_mode = #tpu.pipeline_mode<synchronous>, transform_indices = @transform_4, window_bounds = array<i64: 64, 1>}, {pipeline_mode = #tpu.pipeline_mode<synchronous>, transform_indices = @transform_5, window_bounds = array<i64: 64, 64>}, {pipeline_mode = #tpu.pipeline_mode<synchronous>, transform_indices = @transform_6, window_bounds = array<i64: 64, 1>}, {transform_indices = @transform_7, window_bounds = array<i64: 64, 2048>}]} {
    %get3A = arith.constant 0 : index
    %get3A_0 = arith.constant 0 : index
    %get3A_1 = vector.load %arg4[%get3A, %get3A_0] : memref<64x2xf32, #tpu.memory_space<vmem>>, vector<64x2xf32>
    %get3A_2 = arith.constant 0 : index
    %get3A_3 = arith.constant 0 : index
    %get3A_4 = vector.load %arg1[%get3A_2, %get3A_3] : memref<2x2048xf32, #tpu.memory_space<vmem>>, vector<2x2048xf32>
    %dot_general3A = arith.constant dense<0.000000e+00> : vector<64x2048xf32>
    %dot_general3A_5 = tpu.matmul %get3A_1, %get3A_4, %dot_general3A {dimension_numbers = #tpu.dot_dimension_numbers<[1], [0], [0], [1], [0, 0, 1, 1], [], []>, transpose_lhs_hint = false} : vector<64x2xf32>, vector<2x2048xf32>, vector<64x2048xf32> -> vector<64x2048xf32>
    %get3A_6 = arith.constant 0 : index
    %get3A_7 = arith.constant 0 : index
    %get3A_8 = vector.load %arg5[%get3A_6, %get3A_7] : memref<64x1xf32, #tpu.memory_space<vmem>>, vector<64x1xf32>
    %add3A = vector.broadcast %get3A_8 : vector<64x1xf32> to vector<64x2048xf32>
    %add3A_9 = arith.addf %dot_general3A_5, %add3A : vector<64x2048xf32>
    %max3A = arith.constant 0.000000e+00 : f32
    %max3A_10 = vector.broadcast %max3A : f32 to vector<64x2048xf32>
    %max3A_11 = arith.maximumf %add3A_9, %max3A_10 : vector<64x2048xf32>
    %get3A_12 = arith.constant 0 : index
    %get3A_13 = arith.constant 0 : index
    %get3A_14 = vector.load %arg6[%get3A_12, %get3A_13] : memref<64x64xf32, #tpu.memory_space<vmem>>, vector<64x64xf32>
    %dot_general3A_15 = arith.constant dense<0.000000e+00> : vector<64x2048xf32>
    %dot_general3A_16 = tpu.matmul %get3A_14, %max3A_11, %dot_general3A_15 {dimension_numbers = #tpu.dot_dimension_numbers<[1], [0], [0], [1], [0, 0, 1, 1], [], []>, transpose_lhs_hint = false} : vector<64x64xf32>, vector<64x2048xf32>, vector<64x2048xf32> -> vector<64x2048xf32>
    %get3A_17 = arith.constant 0 : index
    %get3A_18 = arith.constant 0 : index
    %get3A_19 = vector.load %arg7[%get3A_17, %get3A_18] : memref<64x1xf32, #tpu.memory_space<vmem>>, vector<64x1xf32>
    %add3A_20 = vector.broadcast %get3A_19 : vector<64x1xf32> to vector<64x2048xf32>
    %add3A_21 = arith.addf %dot_general3A_16, %add3A_20 : vector<64x2048xf32>
    %get3A_22 = arith.constant 0 : index
    %get3A_23 = arith.constant 0 : index
    %get3A_24 = vector.load %arg3[%get3A_22, %get3A_23] : memref<2048x64xf32, #tpu.memory_space<vmem>>, vector<2048x64xf32>
    %transpose3A = tpu.transpose %get3A_24, [1, 0] : vector<2048x64xf32> -> vector<64x2048xf32>
    %get3A_25 = arith.constant 0 : index
    %get3A_26 = arith.constant 0 : index
    %get3A_27 = vector.load %arg2[%get3A_25, %get3A_26] : memref<1x2048xf32, #tpu.memory_space<vmem>>, vector<1x2048xf32>
    %gt3A = arith.constant 0.000000e+00 : f32
    %gt3A_28 = vector.broadcast %gt3A : f32 to vector<1x2048xf32>
    %gt3A_29 = arith.cmpf ogt, %get3A_27, %gt3A_28 : vector<1x2048xf32>
    %broadcast_in_dim3A = vector.shape_cast %gt3A_29 : vector<1x2048xi1> to vector<1x2048xi1>
    %broadcast_in_dim3A_30 = vector.broadcast %broadcast_in_dim3A : vector<1x2048xi1> to vector<64x2048xi1>
    %select_n3A = arith.select %broadcast_in_dim3A_30, %transpose3A, %add3A_21 : vector<64x2048xi1>, vector<64x2048xf32>
    %mul3A = arith.mulf %select_n3A, %select_n3A : vector<64x2048xf32>
    %reduce_sum3A = arith.constant dense<0.000000e+00> : vector<2048xf32>
    %reduce_sum3A_31 = vector.multi_reduction <add>, %mul3A, %reduce_sum3A [0] : vector<64x2048xf32> to vector<2048xf32>
    %broadcast_in_dim3A_32 = vector.shape_cast %reduce_sum3A_31 : vector<2048xf32> to vector<1x2048xf32>
    %rsqrt3A = math.rsqrt %broadcast_in_dim3A_32 : vector<1x2048xf32>
    %mul3A_33 = vector.broadcast %rsqrt3A : vector<1x2048xf32> to vector<64x2048xf32>
    %mul3A_34 = arith.mulf %select_n3A, %mul3A_33 : vector<64x2048xf32>
    %swap3A = arith.constant 0 : index
    %swap3A_35 = arith.constant 0 : index
    %swap3A_36 = vector.load %arg8[%swap3A, %swap3A_35] : memref<64x2048xf32, #tpu.memory_space<vmem>>, vector<64x2048xf32>
    tpu.vector_store %arg8[%swap3A, %swap3A_35], %mul3A_34 {strides = array<i32>} : memref<64x2048xf32, #tpu.memory_space<vmem>>, vector<64x2048xf32>,
    return
  }
  func.func @transform_0(%arg0: i32) -> (i32, i32) {
    %c0_i32 = arith.constant 0 : i32
    %c0_i32_0 = arith.constant 0 : i32
    return %c0_i32, %arg0 : i32, i32
  }
  func.func @transform_1(%arg0: i32) -> (i32, i32) {
    %c0_i32 = arith.constant 0 : i32
    %c0_i32_0 = arith.constant 0 : i32
    return %c0_i32, %arg0 : i32, i32
  }
  func.func @transform_2(%arg0: i32) -> (i32, i32) {
    %c0_i32 = arith.constant 0 : i32
    %c0_i32_0 = arith.constant 0 : i32
    return %arg0, %c0_i32 : i32, i32
  }
  func.func @transform_3(%arg0: i32) -> (i32, i32) {
    %c0_i32 = arith.constant 0 : i32
    %c0_i32_0 = arith.constant 0 : i32
    %c0_i32_1 = arith.constant 0 : i32
    return %c0_i32, %c0_i32_0 : i32, i32
  }
  func.func @transform_4(%arg0: i32) -> (i32, i32) {
    %c0_i32 = arith.constant 0 : i32
    %c0_i32_0 = arith.constant 0 : i32
    %c0_i32_1 = arith.constant 0 : i32
    return %c0_i32, %c0_i32_0 : i32, i32
  }
  func.func @transform_5(%arg0: i32) -> (i32, i32) {
    %c0_i32 = arith.constant 0 : i32
    %c0_i32_0 = arith.constant 0 : i32
    %c0_i32_1 = arith.constant 0 : i32
    return %c0_i32, %c0_i32_0 : i32, i32
  }
  func.func @transform_6(%arg0: i32) -> (i32, i32) {
    %c0_i32 = arith.constant 0 : i32
    %c0_i32_0 = arith.constant 0 : i32
    %c0_i32_1 = arith.constant 0 : i32
    return %c0_i32, %c0_i32_0 : i32, i32
  }
  func.func @transform_7(%arg0: i32) -> (i32, i32) {
    %c0_i32 = arith.constant 0 : i32
    %c0_i32_0 = arith.constant 0 : i32
    return %c0_i32, %arg0 : i32, i32
  }
}

</mosaic_0001>

<sc_bundles>
// kernel: kernel.4.cloned.1.call-start
scs
__scs_entry_jumppad:
0x0: {  	(pc) =	sbr.rel $0x88, $3  }
0x1: {  	(tag) =	ssettag $0x0;
	lr =	simm.s32 $0x1  }
0x2: {  	[smem:$0x3F99] =	sst lr;
	_ =	strace $0xD0000000  }
0x3: {  	_ = 	snop  }
0x4: {  	_ = 	snop  }
0x5: {  	_ = 	snop  }
0x6: {  	_ = 	snop  }
0x7: {  	_ = 	snop  }
__scs_overlays_trampoline_lowered:
0x8: {  	[smem:$0x3FA8] =	sst s0  }
0x9: {  	[smem:$0x3FA9] =	sst s1  }
0xa: {  	[smem:$0x3FAA] =	sst s2  }
0xb: {  	[smem:$0x3FAB] =	sst s3  }
0xc: {  	[smem:$0x3FAC] =	sst s4  }
0xd: {  	[smem:$0x3FAD] =	sst s5  }
0xe: {  	[smem:$0x3FAE] =	sst s6  }
0xf: {  	[smem:$0x3FAF] =	sst s7  }
0x10: {  	[smem:$0x3FB0] =	sst s8  }
0x11: {  	[smem:$0x3FB1] =	sst s9;
	s0 =	simm.s32 @!p0 $0x0  }
0x12: {  	s1 =	sld [smem:$0x3F97];
	s0 =	simm.s32 @p0 $0x1  }
0x13: {  	[smem:$0x3FB2] =	sst s0;
	s0 =	simm.s32 @!p1 $0x0  }
0x14: {  	s2 =	sld [smem:$0x3F96];
	s0 =	simm.s32 @p1 $0x1  }
0x15: {  	[smem:$0x3FB3] =	sst s0;
	s0 =	simm.s32 @!p2 $0x0  }
0x16: {  	s3 =	sld [smem:$0x3FDB];
	s0 =	simm.s32 @p2 $0x1  }
0x17: {  	s4 =	simm.s32 $0x1BF5;
	[smem:$0x3FB5] =	sst s0  }
0x18: {  	s0 =	sld [smem:$0x3F98];
	_ =	swait.ge [sflag:s4], $0x0  }
0x19: {  	s7 =	sld [smem:$0x3F99]  }
0x1a: {  	s8 =	sadd.s32 $0xFFFFE003, lr  }
0x1b: {  	s9 =	sadd.s32 $0xFFFFFEF7, lr;
	s5 =	simm.s32 $0xFFFFFFFF;
	p2 =	slt.u32 s8, $0xFFFFF086  }
0x1c: {  	p1 =	slt.u32 s9, $0xF7A;
	s5 =	simm.s32 @!p2 $0x0  }
0x1d: {  	s5 =	simm.s32 @p1 $0x1;
	p0 =	seq.s32 s7, s2  }
0x1e: {  	s7 =	smul.u32 @!p0 $0xF7A, s2;
	p2 =	seq.s32 @!p0 s5, $0x0  }
0x1f: {  	s9 =	smul.u32 $0xF7A, s1;
	s8 =	simm.s32 @!p0 $0x1BF5;
	p2 =	por !p2, p0  }
0x20: {  	[sflag:s8] =	ssyncset.s32 @!p0 $0xFFFFF086;
	s6 =	sadd.s32 @!p0 s3, s7;
	s7 =	simm.s32 @!p0 $0x108  }
0x21: {  	s3 =	sadd.s32 s3, s9;
	s6 =	sadd.s32 @!p0 $0x88, s6;
	s7 =	simm.s32 @p2 $0x1082  }
0x22: {  	[simem:s7], [sflag:s8] =	dma.local @!p0 [hbm:s6], $0xF7A  }
0x23: {  	s9 =	sor.u32 $0xD0000000, s2;
	s6 =	simm.s32 $0x108;
	_ =	swait.ge @!p0 [sflag:s8], $0x0  }
0x24: {  	s3 =	sadd.s32 $0x88, s3;
	s6 =	simm.s32 @!p1 $0x1082;
	[sflag:s4] =	ssyncset.s32 $0xFFFFF086  }
0x25: {  	[simem:s6], [sflag:s4] =	dma.local [hbm:s3], $0xF7A  }
0x26: {  	[smem:$0x3F99] =	sst s1;
	(tag) =	ssettag s2;
	_ =	strace s9  }
0x27: {  	s1 =	sld [smem:$0x3FA9]  }
0x28: {  	s2 =	sld [smem:$0x3FAA]  }
0x29: {  	s4 =	sld [smem:$0x3FAC]  }
0x2a: {  	p0 =	seq.s32 s5, $0x0;
	s5 =	sld [smem:$0x3FAD]  }
0x2b: {  	s6 =	sld [smem:$0x3FAE]  }
0x2c: {  	s7 =	sld [smem:$0x3FAF]  }
0x2d: {  	s3 =	simm.s32 $0x108;
	s8 =	sld [smem:$0x3FB0]  }
0x2e: {  	s3 =	simm.s32 @!p0 $0x1082;
	s9 =	sld [smem:$0x3FB1]  }
0x2f: {  	lr =	sadd.s32 s0, s3;
	s0 =	sld [smem:$0x3FA8]  }
0x30: {  	s3 =	sld [smem:$0x3FAB]  }
0x31: {  	[smem:$0x3FB4] =	sst s10  }
0x32: {  	s10 =	sld [smem:$0x3FB2];
	_ =	sdelay $0x3  }
0x33: {  	p0 =	seq.s32 s10, $0x1;
	s10 =	sld [smem:$0x3FB4];
	_ =	sdelay $0x3  }
0x34: {  	[smem:$0x3FB4] =	sst s10  }
0x35: {  	s10 =	sld [smem:$0x3FB3];
	_ =	sdelay $0x3  }
0x36: {  	p1 =	seq.s32 s10, $0x1;
	s10 =	sld [smem:$0x3FB4];
	_ =	sdelay $0x3  }
0x37: {  	[smem:$0x3FB4] =	sst s10  }
0x38: {  	s10 =	sld [smem:$0x3FB5]  }
0x39: {  	_ = 	snop;
	(pc) =	sbr.ind lr, $3  }
0x3a: {  	_ = 	snop  }
0x3b: {  	_ = 	snop  }
0x3c: {  	p2 =	seq.s32 s10, $0x1;
	s10 =	sld [smem:$0x3FB4]  }
0x3d: {  	_ =	shalt  }
0x3e: {  	_ =	shalt  }
0x3f: {  	_ =	shalt  }
0x40: {  	_ =	shalt  }
0x41: {  	_ =	shalt  }
0x42: {  	_ =	shalt  }
0x43: {  	_ =	shalt  }
0x44: {  	_ =	shalt  }
0x45: {  	_ =	shalt  }
0x46: {  	_ =	shalt  }
0x47: {  	_ =	shalt  }
0x48: {  	_ =	shalt  }
0x49: {  	_ =	shalt  }
0x4a: {  	_ =	shalt  }
0x4b: {  	_ =	shalt  }
0x4c: {  	_ =	shalt  }
0x4d: {  	_ =	shalt  }
0x4e: {  	_ =	shalt  }
0x4f: {  	_ =	shalt  }
0x50: {  	_ =	shalt  }
0x51: {  	_ =	shalt  }
0x52: {  	_ =	shalt  }
0x53: {  	_ =	shalt  }
0x54: {  	_ =	shalt  }
0x55: {  	_ =	shalt  }
0x56: {  	_ =	shalt  }
0x57: {  	_ =	shalt  }
0x58: {  	_ =	shalt  }
0x59: {  	_ =	shalt  }
0x5a: {  	_ =	shalt  }
0x5b: {  	_ =	shalt  }
0x5c: {  	_ =	shalt  }
0x5d: {  	_ =	shalt  }
0x5e: {  	_ =	shalt  }
0x5f: {  	_ =	shalt  }
0x60: {  	_ =	shalt  }
0x61: {  	_ =	shalt  }
0x62: {  	_ =	shalt  }
0x63: {  	_ =	shalt  }
0x64: {  	_ =	shalt  }
0x65: {  	_ =	shalt  }
0x66: {  	_ =	shalt  }
0x67: {  	_ =	shalt  }
0x68: {  	_ =	shalt  }
0x69: {  	_ =	shalt  }
0x6a: {  	_ =	shalt  }
0x6b: {  	_ =	shalt  }
0x6c: {  	_ =	shalt  }
0x6d: {  	_ =	shalt  }
0x6e: {  	_ =	shalt  }
0x6f: {  	_ =	shalt  }
0x70: {  	_ =	shalt  }
0x71: {  	_ =	shalt  }
0x72: {  	_ =	shalt  }
0x73: {  	_ =	shalt  }
0x74: {  	_ =	shalt  }
0x75: {  	_ =	shalt  }
0x76: {  	_ =	shalt  }
0x77: {  	_ =	shalt  }
0x78: {  	_ =	shalt  }
0x79: {  	_ =	shalt  }
0x7a: {  	_ =	shalt  }
0x7b: {  	_ =	shalt  }
0x7c: {  	_ =	shalt  }
0x7d: {  	_ =	shalt  }
0x7e: {  	_ =	shalt  }
0x7f: {  	_ =	shalt  }
0x80: {  	_ =	shalt  }
0x81: {  	_ =	shalt  }
0x82: {  	_ =	shalt  }
0x83: {  	_ =	shalt  }
0x84: {  	_ =	shalt  }
0x85: {  	_ =	shalt  }
0x86: {  	_ =	shalt  }
0x87: {  	_ =	shalt  }
.Lfunc_end0:
.L_simem_size_0:
called_computation_lowered:
.L_overlay_start_0:
0x88: {  	s2 =	sld [smem:$0x3FD9]  }
0x89: {  	s3 =	sld [smem:$0x3FFE];
	_ =	sdelay $0x1  }
0x8a: {  	s1 =	srdreg.scid  }
0x8b: {  	s0 =	sand.u32 $0x1, s1  }
0x8c: {  	s17 =	sshll.u32 s0, $0xA;
	s2 =	sadd.s32 s3, s2  }
0x8d: {  	s2 =	sadd.s32 s2, s17  }
0x8e: {  	[smem:$0x3FC0] =	sst s2  }
0x8f: {  	_ = 	snop  }
0x90: {  	s2 =	sld [smem:$0x3FC2];
	(tm) =	ssettm $0x1  }
0x91: {  	s18 =	sld [smem:$0x3FFB];
	_ =	sdelay $0x3  }
0x92: {  	_ =	strace s18  }
0x93: {  	s3 =	sld [smem:$0x3FFC];
	_ =	sdelay $0x3  }
0x94: {  	_ =	strace s3  }
0x95: {  	s3 =	sld [smem:$0x3FFD];
	_ =	sdelay $0x3  }
0x96: {  	_ =	strace s3  }
0x97: {  	_ =	strace $0x8FFFFFFF  }
0x98: {  	s19 =	sld [smem:$0x3FDB];
	_ =	sdelay $0x1  }
0x99: {  	s4 =	simm.s32 $_scs_section_size  }
0x9a: {  	s5 =	simm.s32 $_size__tile_overlayer_lowered;
	s6 =	simm.s32 $_tile_overlayer_lowered  }
0x9b: {  	s22 =	simm.s32 $0x1BFF;
	s21 =	sshll.u32 s6, $0x1;
	s3 =	sadd.s32 s4, s19  }
0x9c: {  	s7 =	simm.s32 $0x0;
	s20 =	sshll.u32 s5, $0x1;
	s5 =	sadd.s32 s21, s3  }
0x9d: {  	[timem:s7], [sflag:s22] =	dma.local [hbm:s5], s20  }
0x9e: {  	_ =	swait.ge [sflag:s22], s20  }
0x9f: {  	s4 =	ssub.s32 $0x0, s20;
	[sflag:s22] =	ssyncset.done $0x0  }
0xa0: {  	[sflag:s22] =	ssyncadd.s32 s4;
	_ =	sdelay $0x1  }
0xa1: {  	s23 =	simm.s32 $0x1B8B  }
0xa2: {  	_ =	swait.ge [sflag:s23], $0x1  }
0xa3: {  	[sflag:s23] =	ssyncset.done $0x0  }
0xa4: {  	s25 =	simm.s32 $0x1B8E;
	s24 =	sld [smem:$0x3FFE];
	[sflag:s23] =	ssyncadd.s32 $0xFFFFFFFF  }
0xa5: {  	s26 =	simm.s32 $execute0_lowered;
	[smem:$0x3FD2] =	sst s25  }
0xa6: {  	s5 =	sshll.u32 s26, $0x1;
	_ =	strace $0x80000046;
	[dreg:$0x1] =	wrdreg $0xFFFFFFFF  }
0xa7: {  	s28 =	simm.s32 $_size_execute0_lowered;
	s3 =	sadd.s32 s3, s5;
	[dreg:$0x0] =	wrdreg $0x0  }
0xa8: {  	s5 =	sshll.u32 s28, $0x1;
	[dreg:$0x2] =	wrdreg s3  }
0xa9: {  	[dreg:$0x3] =	wrdreg s5  }
0xaa: {  	[dreg:$0x4] =	wrdreg $0xC0  }
0xab: {  	_ =	task [dreg:s7], $0x5FFFF  }
0xac: {  	[dreg:$0x1] =	wrdreg $0xFFFFFFFF  }
0xad: {  	[dreg:$0x0] =	wrdreg $0x60  }
0xae: {  	[dreg:$0x2] =	wrdreg s24  }
0xaf: {  	[dreg:$0x3] =	wrdreg s2  }
0xb0: {  	[dreg:$0x4] =	wrdreg $0x9  }
0xb1: {  	_ =	task.clear_ibuf [dreg:s7], $0x5FFFF;
	_ =	strace $0x90000046  }
0xb2: {  	s29 =	simm.s32 $0x9;
	_ =	strace $0x80000048  }
0xb3: {  	_ =	swait.ge [sflag:s29], $0x1  }
0xb4: {  	[sflag:s29] =	ssyncadd.s32 $0xFFFFFFFF  }
0xb5: {  	_ =	strace $0x90000048  }
0xb6: {  	_ =	sfence  }
0xb7: {  	s30 =	sld [smem:$0x0];
	_ =	sdelay $0x2  }
0xb8: {  	s31 =	sshll.u32 s1, $0xD;
	s1 =	sshrl.u32 s1, $0x2  }
0xb9: {  	s3 =	sand.u32 $0x4000, s31;
	s1 =	sadd.s32 s1, s30  }
0xba: {  	s0 =	sor.u32 s3, s0;
	s1 =	sshll.u32 s1, $0x11  }
0xbb: {  	s0 =	sor.u32 s1, s0  }
0xbc: {  	s0 =	sadd.s32 $0x8F2B, s0  }
0xbd: {  	[sflag:s0] =	ssyncadd.remote.s32 $0x1  }
0xbe: {  	_ =	sfence.sel $0xFFFF  }
0xbf: {  	[dreg:$0x0] =	wrdreg $0xFFFFFFFF;
	(pc) =	sbr.abs _section_cstart, $3  }
0xc0: {  	[dreg:$0x1] =	wrdreg $0xFFFFFFFF  }
0xc1: {  	_ =	task.clear_ibuf [dreg:s7], $0x2FFFF;
	_ =	strace $0x9FFFFFFF  }
0xc2: {  	(tm) =	ssettm $0x7FFFFFFF  }
0xc3: {  	_ =	shalt  }
tec
execute0_lowered:
.L_overlay_start_1:
0x0: {  	(tag) =	ssettag $0x1  }
0x1: {  	s0 =	rddreg [dreg:$0x0]  }
0x2: {  	s1 =	rddreg [dreg:$0x1];
	s3 =	srdreg.scid  }
0x3: {  	s2 =	simm.s32 $0x0;
	s5 =	stileid.u32;
	s4 =	sand.u32 $0x1, s3  }
0x4: {  	[smem:$0x7FF] =	sst s2;
	s5 =	sshll.u32 s5, $0xA;
	s6 =	sshll.u32 s4, $0x9  }
0x5: {  	s3 =	sadd.s32 $0x1200, s0;
	s4 =	ssub.s32 $0x2, s4;
	s5 =	sor.u32 s6, s5  }
0x6: {  	s7 =	sshrl.u32 s4, $0x1;
	s6 =	sshll.u32 s5, $0x4;
	s5 =	sshrl.u32 s5, $0x3  }
0x7: {  	_ =	strace $0x80000047;
	s4 =	ssub.s32 s4, s7;
	s1 =	sadd.s32 s1, s5  }
0x8: {  	s0 =	sadd.s32 s6, s0;
	s31 =	smax.u32 s4, $0x1;
	[dreg:$0xc] =	wrdreg s1  }
0x9: {  	s8 =	simm.s32 $0x1;
	s0 =	sadd.s32 $0xF43800, s0;
	[dreg:$0xe] =	wrdreg s31  }
0xa: {  	s4 =	simm.s32 $0x0;
	s1 =	simm.s32 $0x2;
	[dreg:$0xd] =	wrdreg s0  }
.LBB2_1:
0xb: {  	[dreg:$0xf] =	wrdreg s4  }
0xc: {  	s0 =	rddreg [dreg:$0xc]  }
0xd: {  	[tilespmem:s2], [sflag:$0x2] =	stream.linear.gather [hbm4b:s0+s2], $0x200, $0x38;
	[tilespmem:$0x10200] =	vst v63  }
0xe: {  	_ =	swait.ge [sflag:s1], $0x200  }
0xf: {  	[sflag:s1] =	ssyncset.done $0x0  }
0x10: {  	s22 =	simm.s32 $0x10;
	[sflag:s1] =	ssyncadd.s32 $0xFFFFFE00  }
0x11: {  	v0 =	vld [tilespmem:s22+$0xFFFFFFF0];
	_ =	sdelay $0x4  }
0x12: {  	v0 =	vshll.u32 v0, $0x4  }
0x13: {  	(v2sf) =	vpush v0, $0x0;
	_ =	sdelay $0x1  }
0x14: {  	(v2sf) =	vpush v0, $0x1;
	_ =	sdelay $0x1  }
0x15: {  	(v2sf) =	vpush v0, $0x2;
	_ =	sdelay $0x2  }
0x16: {  	(v2sf) =	vpush v0, $0x3;
	_ =	sdelay $0x7  }
0x17: {  	s18 =	spop (v2sf);
	(v2sf) =	vpush v0, $0x4;
	_ =	sdelay $0x1  }
0x18: {  	s20 =	spop (v2sf);
	(v2sf) =	vpush v0, $0x5;
	_ =	sdelay $0x1  }
0x19: {  	s23 =	spop (v2sf);
	(v2sf) =	vpush v0, $0x6;
	_ =	sdelay $0x2  }
0x1a: {  	s25 =	spop (v2sf);
	(v2sf) =	vpush v0, $0x7;
	_ =	sdelay $0x4  }
0x1b: {  	s0 =	sand.u32 $0x1FFFFFF0, s18  }
0x1c: {  	s19 =	simm.s32 $0x200;
	s0 =	sadd.s32 s3, s0  }
0x1d: {  	v1 =	vld [tilespmem:s22+$0x0];
	[tilespmem:s19], [sflag:$0x1] =	stream.linear.gather [hbm4b:s0+s2], $0x80, $0x38  }
0x1e: {  	s28 =	spop (v2sf);
	(v2sf) =	vpush v0, $0x8  }
0x1f: {  	s0 =	sand.u32 $0x1FFFFFF0, s20  }
0x20: {  	s21 =	simm.s32 $0x280;
	s0 =	sadd.s32 s3, s0;
	s30 =	spop (v2sf);
	(v2sf) =	vpush v0, $0x9  }
0x21: {  	[tilespmem:s21], [sflag:$0x1] =	stream.linear.gather [hbm4b:s0+s2], $0x80, $0x38;
	[tilespmem:$0x10200] =	vst v63  }
0x22: {  	s0 =	sand.u32 $0x1FFFFFF0, s23;
	s1 =	spop (v2sf);
	(v2sf) =	vpush v0, $0xA  }
0x23: {  	s24 =	simm.s32 $0x300;
	s0 =	sadd.s32 s3, s0  }
0x24: {  	[tilespmem:s24], [sflag:$0x1] =	stream.linear.gather [hbm4b:s0+s2], $0x80, $0x38;
	[tilespmem:$0x10200] =	vst v63  }
0x25: {  	s5 =	spop (v2sf);
	(v2sf) =	vpush v0, $0xB  }
0x26: {  	s0 =	sand.u32 $0x1FFFFFF0, s25  }
0x27: {  	s26 =	simm.s32 $0x380;
	s0 =	sadd.s32 s3, s0  }
0x28: {  	[tilespmem:s26], [sflag:$0x1] =	stream.linear.gather [hbm4b:s0+s2], $0x80, $0x38;
	[tilespmem:$0x10200] =	vst v63  }
0x29: {  	s0 =	sand.u32 $0x1FFFFFF0, s28  }
0x2a: {  	s29 =	simm.s32 $0x400;
	s0 =	sadd.s32 s3, s0  }
0x2b: {  	[tilespmem:s29], [sflag:$0x1] =	stream.linear.gather [hbm4b:s0+s2], $0x80, $0x38;
	[tilespmem:$0x10200] =	vst v63  }
0x2c: {  	s0 =	sand.u32 $0x1FFFFFF0, s30  }
0x2d: {  	s31 =	simm.s32 $0x480;
	s0 =	sadd.s32 s3, s0;
	s7 =	spop (v2sf);
	(v2sf) =	vpush v0, $0xC  }
0x2e: {  	[tilespmem:s31], [sflag:$0x1] =	stream.linear.gather [hbm4b:s0+s2], $0x80, $0x38;
	[tilespmem:$0x10200] =	vst v63  }
0x2f: {  	s10 =	spop (v2sf);
	(v2sf) =	vpush v0, $0xD  }
0x30: {  	s0 =	sand.u32 $0x1FFFFFF0, s1  }
0x31: {  	s4 =	simm.s32 $0x500;
	s0 =	sadd.s32 s3, s0;
	s12 =	spop (v2sf);
	(v2sf) =	vpush v0, $0xE  }
0x32: {  	[tilespmem:s4], [sflag:$0x1] =	stream.linear.gather [hbm4b:s0+s2], $0x80, $0x38;
	[tilespmem:$0x10200] =	vst v63  }
0x33: {  	s0 =	sand.u32 $0x1FFFFFF0, s5  }
0x34: {  	s6 =	simm.s32 $0x580;
	s0 =	sadd.s32 s3, s0;
	s14 =	spop (v2sf);
	(v2sf) =	vpush v0, $0xF  }
0x35: {  	[tilespmem:s6], [sflag:$0x1] =	stream.linear.gather [hbm4b:s0+s2], $0x80, $0x38;
	[tilespmem:$0x10200] =	vst v63  }
0x36: {  	s0 =	sand.u32 $0x1FFFFFF0, s7  }
0x37: {  	s9 =	simm.s32 $0x600;
	s0 =	sadd.s32 s3, s0  }
0x38: {  	[tilespmem:s9], [sflag:$0x1] =	stream.linear.gather [hbm4b:s0+s2], $0x80, $0x38;
	[tilespmem:$0x10200] =	vst v63  }
0x39: {  	s0 =	sand.u32 $0x1FFFFFF0, s10  }
0x3a: {  	s11 =	simm.s32 $0x680;
	s0 =	sadd.s32 s3, s0  }
0x3b: {  	v63 =	vshll.u32 v1, $0x4;
	[tilespmem:s11], [sflag:$0x1] =	stream.linear.gather [hbm4b:s0+s2], $0x80, $0x38;
	[tilespmem:$0x10200] =	vst v63  }
0x3c: {  	s16 =	spop (v2sf);
	(v2sf) =	vpush v63, $0x0  }
0x3d: {  	s0 =	sand.u32 $0x1FFFFFF0, s12  }
0x3e: {  	s13 =	simm.s32 $0x700;
	s0 =	sadd.s32 s3, s0;
	s18 =	spop (v2sf);
	(v2sf) =	vpush v63, $0x1  }
0x3f: {  	[tilespmem:s13], [sflag:$0x1] =	stream.linear.gather [hbm4b:s0+s2], $0x80, $0x38;
	[tilespmem:$0x10200] =	vst v63  }
0x40: {  	s0 =	sand.u32 $0x1FFFFFF0, s14;
	s20 =	spop (v2sf);
	(v2sf) =	vpush v63, $0x2  }
0x41: {  	s15 =	simm.s32 $0x780;
	s0 =	sadd.s32 s3, s0  }
0x42: {  	[tilespmem:s15], [sflag:$0x1] =	stream.linear.gather [hbm4b:s0+s2], $0x80, $0x38;
	[tilespmem:$0x10200] =	vst v63  }
0x43: {  	s23 =	spop (v2sf);
	(v2sf) =	vpush v63, $0x3  }
0x44: {  	s0 =	sand.u32 $0x1FFFFFF0, s16  }
0x45: {  	s17 =	simm.s32 $0x800;
	s0 =	sadd.s32 s3, s0  }
0x46: {  	[tilespmem:s17], [sflag:$0x1] =	stream.linear.gather [hbm4b:s0+s2], $0x80, $0x38;
	[tilespmem:$0x10200] =	vst v63  }
0x47: {  	s0 =	sand.u32 $0x1FFFFFF0, s18  }
0x48: {  	s19 =	simm.s32 $0x880;
	s0 =	sadd.s32 s3, s0  }
0x49: {  	[tilespmem:s19], [sflag:$0x1] =	stream.linear.gather [hbm4b:s0+s2], $0x80, $0x38;
	[tilespmem:$0x10200] =	vst v63  }
0x4a: {  	s0 =	sand.u32 $0x1FFFFFF0, s20  }
0x4b: {  	s21 =	simm.s32 $0x900;
	s0 =	sadd.s32 s3, s0;
	s25 =	spop (v2sf);
	(v2sf) =	vpush v63, $0x4  }
0x4c: {  	[tilespmem:s21], [sflag:$0x1] =	stream.linear.gather [hbm4b:s0+s2], $0x80, $0x38;
	[tilespmem:$0x10200] =	vst v63  }
0x4d: {  	s28 =	spop (v2sf);
	(v2sf) =	vpush v63, $0x5  }
0x4e: {  	s0 =	sand.u32 $0x1FFFFFF0, s23  }
0x4f: {  	s24 =	simm.s32 $0x980;
	s0 =	sadd.s32 s3, s0;
	s30 =	spop (v2sf);
	(v2sf) =	vpush v63, $0x6  }
0x50: {  	[tilespmem:s24], [sflag:$0x1] =	stream.linear.gather [hbm4b:s0+s2], $0x80, $0x38;
	[tilespmem:$0x10200] =	vst v63  }
0x51: {  	s0 =	sand.u32 $0x1FFFFFF0, s25  }
0x52: {  	s26 =	simm.s32 $0xA00;
	s0 =	sadd.s32 s3, s0;
	s1 =	spop (v2sf);
	(v2sf) =	vpush v63, $0x7  }
0x53: {  	[tilespmem:s26], [sflag:$0x1] =	stream.linear.gather [hbm4b:s0+s2], $0x80, $0x38;
	[tilespmem:$0x10200] =	vst v63  }
0x54: {  	s0 =	sand.u32 $0x1FFFFFF0, s28  }
0x55: {  	s29 =	simm.s32 $0xA80;
	s0 =	sadd.s32 s3, s0  }
0x56: {  	[tilespmem:s29], [sflag:$0x1] =	stream.linear.gather [hbm4b:s0+s2], $0x80, $0x38;
	[tilespmem:$0x10200] =	vst v63  }
0x57: {  	s0 =	sand.u32 $0x1FFFFFF0, s30  }
0x58: {  	s31 =	simm.s32 $0xB00;
	s0 =	sadd.s32 s3, s0  }
0x59: {  	[tilespmem:s31], [sflag:$0x1] =	stream.linear.gather [hbm4b:s0+s2], $0x80, $0x38;
	[tilespmem:$0x10200] =	vst v63  }
0x5a: {  	s5 =	spop (v2sf);
	(v2sf) =	vpush v63, $0x8  }
0x5b: {  	s0 =	sand.u32 $0x1FFFFFF0, s1  }
0x5c: {  	s4 =	simm.s32 $0xB80;
	s0 =	sadd.s32 s3, s0;
	s7 =	spop (v2sf);
	(v2sf) =	vpush v63, $0x9  }
0x5d: {  	[tilespmem:s4], [sflag:$0x1] =	stream.linear.gather [hbm4b:s0+s2], $0x80, $0x38;
	[tilespmem:$0x10200] =	vst v63  }
0x5e: {  	s0 =	sand.u32 $0x1FFFFFF0, s5;
	s10 =	spop (v2sf);
	(v2sf) =	vpush v63, $0xA  }
0x5f: {  	s6 =	simm.s32 $0xC00;
	s0 =	sadd.s32 s3, s0  }
0x60: {  	[tilespmem:s6], [sflag:$0x1] =	stream.linear.gather [hbm4b:s0+s2], $0x80, $0x38;
	[tilespmem:$0x10200] =	vst v63  }
0x61: {  	s12 =	spop (v2sf);
	(v2sf) =	vpush v63, $0xB  }
0x62: {  	s0 =	sand.u32 $0x1FFFFFF0, s7  }
0x63: {  	s9 =	simm.s32 $0xC80;
	s0 =	sadd.s32 s3, s0  }
0x64: {  	[tilespmem:s9], [sflag:$0x1] =	stream.linear.gather [hbm4b:s0+s2], $0x80, $0x38;
	[tilespmem:$0x10200] =	vst v63  }
0x65: {  	s0 =	sand.u32 $0x1FFFFFF0, s10  }
0x66: {  	s11 =	simm.s32 $0xD00;
	s0 =	sadd.s32 s3, s0  }
0x67: {  	[tilespmem:s11], [sflag:$0x1] =	stream.linear.gather [hbm4b:s0+s2], $0x80, $0x38;
	[tilespmem:$0x10200] =	vst v63  }
0x68: {  	s0 =	sand.u32 $0x1FFFFFF0, s12  }
0x69: {  	s13 =	simm.s32 $0xD80;
	s0 =	sadd.s32 s3, s0;
	s14 =	spop (v2sf);
	(v2sf) =	vpush v63, $0xC  }
0x6a: {  	[tilespmem:s13], [sflag:$0x1] =	stream.linear.gather [hbm4b:s0+s2], $0x80, $0x38;
	[tilespmem:$0x10200] =	vst v63  }
0x6b: {  	s16 =	spop (v2sf);
	(v2sf) =	vpush v63, $0xD  }
0x6c: {  	s0 =	sand.u32 $0x1FFFFFF0, s14  }
0x6d: {  	s15 =	simm.s32 $0xE00;
	s0 =	sadd.s32 s3, s0;
	s18 =	spop (v2sf)  }
0x6e: {  	(v2sf) =	vpush v63, $0xE;
	[tilespmem:s15], [sflag:$0x1] =	stream.linear.gather [hbm4b:s0+s2], $0x80, $0x38;
	[tilespmem:$0x10200] =	vst v63  }
0x6f: {  	s0 =	sand.u32 $0x1FFFFFF0, s16  }
0x70: {  	s17 =	simm.s32 $0xE80;
	s20 =	spop (v2sf);
	s0 =	sadd.s32 s3, s0  }
0x71: {  	(v2sf) =	vpush v63, $0xF;
	[tilespmem:s17], [sflag:$0x1] =	stream.linear.gather [hbm4b:s0+s2], $0x80, $0x38;
	[tilespmem:$0x10200] =	vst v63  }
0x72: {  	s0 =	sand.u32 $0x1FFFFFF0, s18  }
0x73: {  	s19 =	simm.s32 $0xF00;
	s0 =	sadd.s32 s3, s0  }
0x74: {  	[tilespmem:s19], [sflag:$0x1] =	stream.linear.gather [hbm4b:s0+s2], $0x80, $0x38;
	[tilespmem:$0x10200] =	vst v63  }
0x75: {  	s0 =	sand.u32 $0x1FFFFFF0, s20  }
0x76: {  	s21 =	simm.s32 $0xF80;
	s0 =	sadd.s32 s3, s0  }
0x77: {  	[tilespmem:s21], [sflag:$0x1] =	stream.linear.gather [hbm4b:s0+s2], $0x80, $0x38;
	[tilespmem:$0x10200] =	vst v63  }
0x78: {  	s23 =	spop (v2sf)  }
0x79: {  	s0 =	sand.u32 $0x1FFFFFF0, s23  }
0x7a: {  	s24 =	simm.s32 $0x1000;
	s25 =	spop (v2sf);
	s0 =	sadd.s32 s3, s0  }
0x7b: {  	[tilespmem:s24], [sflag:$0x1] =	stream.linear.gather [hbm4b:s0+s2], $0x80, $0x38;
	[tilespmem:$0x10200] =	vst v63  }
0x7c: {  	s0 =	sand.u32 $0x1FFFFFF0, s25  }
0x7d: {  	s26 =	simm.s32 $0x1080;
	s28 =	spop (v2sf);
	s0 =	sadd.s32 s3, s0  }
0x7e: {  	[tilespmem:s26], [sflag:$0x1] =	stream.linear.gather [hbm4b:s0+s2], $0x80, $0x38;
	[tilespmem:$0x10200] =	vst v63  }
0x7f: {  	s0 =	sand.u32 $0x1FFFFFF0, s28  }
0x80: {  	s29 =	simm.s32 $0x1100;
	s30 =	spop (v2sf);
	s0 =	sadd.s32 s3, s0  }
0x81: {  	[tilespmem:s29], [sflag:$0x1] =	stream.linear.gather [hbm4b:s0+s2], $0x80, $0x38;
	[tilespmem:$0x10200] =	vst v63  }
0x82: {  	s0 =	sand.u32 $0x1FFFFFF0, s30  }
0x83: {  	s31 =	simm.s32 $0x1180;
	s0 =	sadd.s32 s3, s0  }
0x84: {  	[tilespmem:s31], [sflag:$0x1] =	stream.linear.gather [hbm4b:s0+s2], $0x80, $0x38;
	[tilespmem:$0x10200] =	vst v63  }
0x85: {  	_ =	swait.ge [sflag:s8], $0x80  }
0x86: {  	[sflag:s8] =	ssyncset.done $0x0  }
0x87: {  	[sflag:s8] =	ssyncadd.s32 $0xFFFFFF80  }
0x88: {  	_ =	swait.ge [sflag:s8], $0x80  }
0x89: {  	[sflag:s8] =	ssyncset.done $0x0  }
0x8a: {  	[sflag:s8] =	ssyncadd.s32 $0xFFFFFF80  }
0x8b: {  	_ =	swait.ge [sflag:s8], $0x80  }
0x8c: {  	[sflag:s8] =	ssyncset.done $0x0  }
0x8d: {  	[sflag:s8] =	ssyncadd.s32 $0xFFFFFF80  }
0x8e: {  	_ =	swait.ge [sflag:s8], $0x80  }
0x8f: {  	[sflag:s8] =	ssyncset.done $0x0  }
0x90: {  	[sflag:s8] =	ssyncadd.s32 $0xFFFFFF80  }
0x91: {  	_ =	swait.ge [sflag:s8], $0x80  }
0x92: {  	[sflag:s8] =	ssyncset.done $0x0  }
0x93: {  	[sflag:s8] =	ssyncadd.s32 $0xFFFFFF80  }
0x94: {  	_ =	swait.ge [sflag:s8], $0x80  }
0x95: {  	[sflag:s8] =	ssyncset.done $0x0  }
0x96: {  	[sflag:s8] =	ssyncadd.s32 $0xFFFFFF80  }
0x97: {  	_ =	swait.ge [sflag:s8], $0x80  }
0x98: {  	[sflag:s8] =	ssyncset.done $0x0  }
0x99: {  	[sflag:s8] =	ssyncadd.s32 $0xFFFFFF80  }
0x9a: {  	_ =	swait.ge [sflag:s8], $0x80  }
0x9b: {  	[sflag:s8] =	ssyncset.done $0x0  }
0x9c: {  	[sflag:s8] =	ssyncadd.s32 $0xFFFFFF80  }
0x9d: {  	_ =	swait.ge [sflag:s8], $0x80  }
0x9e: {  	[sflag:s8] =	ssyncset.done $0x0  }
0x9f: {  	[sflag:s8] =	ssyncadd.s32 $0xFFFFFF80  }
0xa0: {  	_ =	swait.ge [sflag:s8], $0x80  }
0xa1: {  	[sflag:s8] =	ssyncset.done $0x0  }
0xa2: {  	[sflag:s8] =	ssyncadd.s32 $0xFFFFFF80  }
0xa3: {  	_ =	swait.ge [sflag:s8], $0x80  }
0xa4: {  	[sflag:s8] =	ssyncset.done $0x0  }
0xa5: {  	[sflag:s8] =	ssyncadd.s32 $0xFFFFFF80  }
0xa6: {  	_ =	swait.ge [sflag:s8], $0x80  }
0xa7: {  	[sflag:s8] =	ssyncset.done $0x0  }
0xa8: {  	[sflag:s8] =	ssyncadd.s32 $0xFFFFFF80  }
0xa9: {  	_ =	swait.ge [sflag:s8], $0x80  }
0xaa: {  	[sflag:s8] =	ssyncset.done $0x0  }
0xab: {  	[sflag:s8] =	ssyncadd.s32 $0xFFFFFF80  }
0xac: {  	_ =	swait.ge [sflag:s8], $0x80  }
0xad: {  	[sflag:s8] =	ssyncset.done $0x0  }
0xae: {  	[sflag:s8] =	ssyncadd.s32 $0xFFFFFF80  }
0xaf: {  	_ =	swait.ge [sflag:s8], $0x80  }
0xb0: {  	s12 =	simm.s32 $0x4000;
	[sflag:s8] =	ssyncset.done $0x0  }
.LBB2_2:
0xb1: {  	[sflag:s8] =	ssyncadd.s32 $0xFFFFFF80  }
0xb2: {  	_ =	swait.ge [sflag:s8], $0x80  }
0xb3: {  	[sflag:s8] =	ssyncset.done $0x0  }
0xb4: {  	[sflag:s8] =	ssyncadd.s32 $0xFFFFFF80  }
0xb5: {  	_ =	swait.ge [sflag:s8], $0x80  }
0xb6: {  	[sflag:s8] =	ssyncset.done $0x0  }
0xb7: {  	[sflag:s8] =	ssyncadd.s32 $0xFFFFFF80  }
0xb8: {  	_ =	swait.ge [sflag:s8], $0x80  }
0xb9: {  	[sflag:s8] =	ssyncset.done $0x0  }
0xba: {  	[sflag:s8] =	ssyncadd.s32 $0xFFFFFF80  }
0xbb: {  	_ =	swait.ge [sflag:s8], $0x80  }
0xbc: {  	[sflag:s8] =	ssyncset.done $0x0  }
0xbd: {  	[sflag:s8] =	ssyncadd.s32 $0xFFFFFF80  }
0xbe: {  	_ =	swait.ge [sflag:s8], $0x80  }
0xbf: {  	[sflag:s8] =	ssyncset.done $0x0  }
0xc0: {  	[sflag:s8] =	ssyncadd.s32 $0xFFFFFF80  }
0xc1: {  	_ =	swait.ge [sflag:s8], $0x80  }
0xc2: {  	[sflag:s8] =	ssyncset.done $0x0  }
0xc3: {  	[sflag:s8] =	ssyncadd.s32 $0xFFFFFF80  }
0xc4: {  	_ =	swait.ge [sflag:s8], $0x80  }
0xc5: {  	[sflag:s8] =	ssyncset.done $0x0  }
0xc6: {  	[sflag:s8] =	ssyncadd.s32 $0xFFFFFF80  }
0xc7: {  	_ =	swait.ge [sflag:s8], $0x80  }
0xc8: {  	[sflag:s8] =	ssyncset.done $0x0  }
0xc9: {  	[sflag:s8] =	ssyncadd.s32 $0xFFFFFF80  }
0xca: {  	_ =	swait.ge [sflag:s8], $0x80  }
0xcb: {  	[sflag:s8] =	ssyncset.done $0x0  }
0xcc: {  	[sflag:s8] =	ssyncadd.s32 $0xFFFFFF80  }
0xcd: {  	_ =	swait.ge [sflag:s8], $0x80  }
0xce: {  	[sflag:s8] =	ssyncset.done $0x0  }
0xcf: {  	[sflag:s8] =	ssyncadd.s32 $0xFFFFFF80  }
0xd0: {  	_ =	swait.ge [sflag:s8], $0x80  }
0xd1: {  	[sflag:s8] =	ssyncset.done $0x0  }
0xd2: {  	[sflag:s8] =	ssyncadd.s32 $0xFFFFFF80  }
0xd3: {  	_ =	swait.ge [sflag:s8], $0x80  }
0xd4: {  	[sflag:s8] =	ssyncset.done $0x0  }
0xd5: {  	[sflag:s8] =	ssyncadd.s32 $0xFFFFFF80  }
0xd6: {  	_ =	swait.ge [sflag:s8], $0x80  }
0xd7: {  	[sflag:s8] =	ssyncset.done $0x0  }
0xd8: {  	[sflag:s8] =	ssyncadd.s32 $0xFFFFFF80  }
0xd9: {  	_ =	swait.ge [sflag:s8], $0x80  }
0xda: {  	[sflag:s8] =	ssyncset.done $0x0  }
0xdb: {  	[sflag:s8] =	ssyncadd.s32 $0xFFFFFF80  }
0xdc: {  	_ =	swait.ge [sflag:s8], $0x80  }
0xdd: {  	[sflag:s8] =	ssyncset.done $0x0  }
0xde: {  	[sflag:s8] =	ssyncadd.s32 $0xFFFFFF80  }
0xdf: {  	_ =	swait.ge [sflag:s8], $0x80  }
0xe0: {  	[sflag:s8] =	ssyncset.done $0x0  }
0xe1: {  	[sflag:s8] =	ssyncadd.s32 $0xFFFFFF80  }
0xe2: {  	_ =	swait.ge [sflag:s8], $0x80  }
0xe3: {  	[sflag:s8] =	ssyncset.done $0x0  }
0xe4: {  	s22 =	sadd.s32 $0x20, s22;
	[sflag:s8] =	ssyncadd.s32 $0xFFFFFF80  }
0xe5: {  	v0 =	vld [tilespmem:s22+$0xFFFFFFF0];
	_ =	sdelay $0x4  }
0xe6: {  	v2 =	vshll.u32 v0, $0x4  }
0xe7: {  	(v2sf) =	vpush v2, $0x0  }
0xe8: {  	s0 =	smov.u32 s12;
	(v2sf) =	vpush v2, $0x1  }
0xe9: {  	s13 =	sshra.s32 s0, $0x2;
	(v2sf) =	vpush v2, $0x2  }
0xea: {  	s9 =	sadd.s32 $0x380, s13;
	s31 =	sadd.s32 $0x400, s13;
	s7 =	sadd.s32 $0x200, s13  }
0xeb: {  	s5 =	sadd.s32 $0x280, s13;
	s0 =	sadd.s32 $0x480, s13;
	s1 =	sadd.s32 $0x1180, s13;
	(v2sf) =	vpush v2, $0x3  }
0xec: {  	s23 =	sadd.s32 $0x680, s13;
	s4 =	sadd.s32 $0xF80, s13;
	[dreg:$0x3] =	wrdreg s1  }
0xed: {  	s29 =	sadd.s32 $0x500, s13;
	s6 =	sadd.s32 $0x1000, s13;
	[dreg:$0x6] =	wrdreg s4;
	(v2sf) =	vpush v2, $0x4  }
0xee: {  	s25 =	sadd.s32 $0x600, s13;
	s10 =	sadd.s32 $0x1080, s13;
	[dreg:$0x5] =	wrdreg s6  }
0xef: {  	s28 =	sadd.s32 $0x580, s13;
	s11 =	sadd.s32 $0xE00, s13;
	[dreg:$0x4] =	wrdreg s10;
	(v2sf) =	vpush v2, $0x5  }
0xf0: {  	s14 =	sadd.s32 $0xE80, s13;
	s15 =	sadd.s32 $0xF00, s13;
	[dreg:$0x9] =	wrdreg s11  }
0xf1: {  	s24 =	sadd.s32 $0xC80, s13;
	s16 =	sadd.s32 $0xD00, s13;
	[dreg:$0x8] =	wrdreg s14;
	(v2sf) =	vpush v2, $0x6  }
0xf2: {  	s17 =	sadd.s32 $0xD80, s13;
	s30 =	sadd.s32 $0xB80, s13;
	[dreg:$0x7] =	wrdreg s15  }
0xf3: {  	s26 =	sadd.s32 $0xC00, s13;
	s19 =	sadd.s32 $0x300, s13;
	[dreg:$0xb] =	wrdreg s16;
	(v2sf) =	vpush v2, $0x7  }
0xf4: {  	[dreg:$0xa] =	wrdreg s17;
	s1 =	sadd.s32 $0xB00, s13;
	s10 =	sadd.s32 $0x980, s13  }
0xf5: {  	s6 =	sadd.s32 $0xA00, s13;
	s15 =	sadd.s32 $0x800, s13;
	s14 =	sadd.s32 $0x880, s13;
	(v2sf) =	vpush v2, $0x8  }
0xf6: {  	s11 =	sadd.s32 $0x900, s13;
	s17 =	sadd.s32 $0x700, s13;
	s18 =	spop (v2sf)  }
0xf7: {  	s16 =	sadd.s32 $0x780, s13;
	s18 =	sand.u32 $0x1FFFFFF0, s18;
	s20 =	spop (v2sf);
	(v2sf) =	vpush v2, $0x9  }
0xf8: {  	s18 =	sadd.s32 s3, s18;
	s20 =	sand.u32 $0x1FFFFFF0, s20;
	s21 =	spop (v2sf)  }
0xf9: {  	v1 =	vld [tilespmem:s22+$0x0];
	(v2sf) =	vpush v2, $0xA;
	[tilespmem:s7], [sflag:$0x1] =	stream.linear.gather [hbm4b:s18+s2], $0x80, $0x38  }
0xfa: {  	s18 =	sadd.s32 s3, s20;
	s20 =	sand.u32 $0x1FFFFFF0, s21;
	s21 =	spop (v2sf)  }
0xfb: {  	(v2sf) =	vpush v2, $0xB;
	[tilespmem:s5], [sflag:$0x1] =	stream.linear.gather [hbm4b:s18+s2], $0x80, $0x38;
	[tilespmem:$0x10200] =	vst v63  }
0xfc: {  	s18 =	sadd.s32 s3, s20;
	s20 =	sand.u32 $0x1FFFFFF0, s21;
	s21 =	spop (v2sf)  }
0xfd: {  	(v2sf) =	vpush v2, $0xC;
	[tilespmem:s19], [sflag:$0x1] =	stream.linear.gather [hbm4b:s18+s2], $0x80, $0x38;
	[tilespmem:$0x10200] =	vst v63  }
0xfe: {  	s19 =	sadd.s32 s3, s20;
	s20 =	sand.u32 $0x1FFFFFF0, s21;
	s21 =	spop (v2sf)  }
0xff: {  	(v2sf) =	vpush v2, $0xD;
	[tilespmem:s9], [sflag:$0x1] =	stream.linear.gather [hbm4b:s19+s2], $0x80, $0x38;
	[tilespmem:$0x10200] =	vst v63  }
0x100: {  	s19 =	sadd.s32 s3, s20;
	s20 =	sand.u32 $0x1FFFFFF0, s21;
	s21 =	spop (v2sf)  }
0x101: {  	(v2sf) =	vpush v2, $0xE;
	[tilespmem:s31], [sflag:$0x1] =	stream.linear.gather [hbm4b:s19+s2], $0x80, $0x38;
	[tilespmem:$0x10200] =	vst v63  }
0x102: {  	s7 =	sadd.s32 s3, s20;
	s18 =	sand.u32 $0x1FFFFFF0, s21;
	s19 =	spop (v2sf)  }
0x103: {  	(v2sf) =	vpush v2, $0xF;
	[tilespmem:s0], [sflag:$0x1] =	stream.linear.gather [hbm4b:s7+s2], $0x80, $0x38;
	[tilespmem:$0x10200] =	vst v63  }
0x104: {  	v63 =	vshll.u32 v1, $0x4;
	s20 =	sadd.s32 s3, s18;
	s21 =	sand.u32 $0x1FFFFFF0, s19;
	s31 =	spop (v2sf)  }
0x105: {  	(v2sf) =	vpush v63, $0x0;
	[tilespmem:s29], [sflag:$0x1] =	stream.linear.gather [hbm4b:s20+s2], $0x80, $0x38;
	[tilespmem:$0x10200] =	vst v63  }
0x106: {  	s5 =	sadd.s32 s3, s21;
	s9 =	sand.u32 $0x1FFFFFF0, s31;
	s18 =	spop (v2sf)  }
0x107: {  	(v2sf) =	vpush v63, $0x1;
	[tilespmem:s28], [sflag:$0x1] =	stream.linear.gather [hbm4b:s5+s2], $0x80, $0x38;
	[tilespmem:$0x10200] =	vst v63  }
0x108: {  	s19 =	sadd.s32 s3, s9;
	s20 =	sand.u32 $0x1FFFFFF0, s18;
	s21 =	spop (v2sf);
	(v2sf) =	vpush v63, $0x2  }
0x109: {  	[tilespmem:s25], [sflag:$0x1] =	stream.linear.gather [hbm4b:s19+s2], $0x80, $0x38;
	[tilespmem:$0x10200] =	vst v63  }
0x10a: {  	s28 =	sadd.s32 s3, s20;
	s29 =	sand.u32 $0x1FFFFFF0, s21;
	s31 =	spop (v2sf);
	(v2sf) =	vpush v63, $0x3  }
0x10b: {  	[tilespmem:s23], [sflag:$0x1] =	stream.linear.gather [hbm4b:s28+s2], $0x80, $0x38;
	[tilespmem:$0x10200] =	vst v63  }
0x10c: {  	s5 =	sadd.s32 s3, s29;
	s7 =	sand.u32 $0x1FFFFFF0, s31;
	s9 =	spop (v2sf);
	(v2sf) =	vpush v63, $0x4  }
0x10d: {  	[tilespmem:s17], [sflag:$0x1] =	stream.linear.gather [hbm4b:s5+s2], $0x80, $0x38;
	[tilespmem:$0x10200] =	vst v63  }
0x10e: {  	s18 =	sadd.s32 s3, s7;
	s19 =	sand.u32 $0x1FFFFFF0, s9;
	s20 =	spop (v2sf)  }
0x10f: {  	(v2sf) =	vpush v63, $0x5;
	[tilespmem:s16], [sflag:$0x1] =	stream.linear.gather [hbm4b:s18+s2], $0x80, $0x38;
	[tilespmem:$0x10200] =	vst v63  }
0x110: {  	s21 =	sadd.s32 s3, s19;
	s23 =	sand.u32 $0x1FFFFFF0, s20;
	s25 =	spop (v2sf)  }
0x111: {  	(v2sf) =	vpush v63, $0x6;
	[tilespmem:s15], [sflag:$0x1] =	stream.linear.gather [hbm4b:s21+s2], $0x80, $0x38;
	[tilespmem:$0x10200] =	vst v63  }
0x112: {  	s28 =	sadd.s32 s3, s23;
	s29 =	sand.u32 $0x1FFFFFF0, s25;
	s31 =	spop (v2sf)  }
0x113: {  	(v2sf) =	vpush v63, $0x7;
	[tilespmem:s14], [sflag:$0x1] =	stream.linear.gather [hbm4b:s28+s2], $0x80, $0x38;
	[tilespmem:$0x10200] =	vst v63  }
0x114: {  	s5 =	sadd.s32 s3, s29;
	s9 =	sand.u32 $0x1FFFFFF0, s31;
	s14 =	spop (v2sf)  }
0x115: {  	[tilespmem:s11], [sflag:$0x1] =	stream.linear.gather [hbm4b:s5+s2], $0x80, $0x38;
	[tilespmem:$0x10200] =	vst v63  }
0x116: {  	s4 =	sadd.s32 $0xA80, s13;
	s15 =	sadd.s32 s3, s9;
	(v2sf) =	vpush v63, $0x8;
	s17 =	spop (v2sf)  }
0x117: {  	s16 =	sand.u32 $0x1FFFFFF0, s14;
	s19 =	sand.u32 $0x1FFFFFF0, s17;
	s20 =	spop (v2sf)  }
0x118: {  	(v2sf) =	vpush v63, $0x9;
	[tilespmem:s10], [sflag:$0x1] =	stream.linear.gather [hbm4b:s15+s2], $0x80, $0x38;
	[tilespmem:$0x10200] =	vst v63  }
0x119: {  	s18 =	sadd.s32 s3, s16;
	s21 =	sadd.s32 s3, s19;
	s25 =	spop (v2sf)  }
0x11a: {  	(v2sf) =	vpush v63, $0xA;
	[tilespmem:s6], [sflag:$0x1] =	stream.linear.gather [hbm4b:s18+s2], $0x80, $0x38;
	[tilespmem:$0x10200] =	vst v63  }
0x11b: {  	s23 =	sand.u32 $0x1FFFFFF0, s20;
	s29 =	sand.u32 $0x1FFFFFF0, s25;
	s31 =	spop (v2sf)  }
0x11c: {  	(v2sf) =	vpush v63, $0xB;
	s28 =	sadd.s32 s3, s23;
	s6 =	sadd.s32 s3, s29;
	s7 =	sand.u32 $0x1FFFFFF0, s31  }
0x11d: {  	[tilespmem:s4], [sflag:$0x1] =	stream.linear.gather [hbm4b:s21+s2], $0x80, $0x38;
	[tilespmem:$0x10200] =	vst v63  }
0x11e: {  	s31 =	rddreg [dreg:$0x9];
	s9 =	spop (v2sf);
	s10 =	sadd.s32 s3, s7  }
0x11f: {  	[tilespmem:s1], [sflag:$0x1] =	stream.linear.gather [hbm4b:s28+s2], $0x80, $0x38;
	[tilespmem:$0x10200] =	vst v63  }
0x120: {  	(v2sf) =	vpush v63, $0xC;
	s21 =	rddreg [dreg:$0xb];
	s11 =	sand.u32 $0x1FFFFFF0, s9;
	s14 =	spop (v2sf)  }
0x121: {  	[tilespmem:s30], [sflag:$0x1] =	stream.linear.gather [hbm4b:s6+s2], $0x80, $0x38;
	[tilespmem:$0x10200] =	vst v63  }
0x122: {  	(v2sf) =	vpush v63, $0xD;
	s7 =	rddreg [dreg:$0x8];
	s15 =	sadd.s32 s3, s11;
	s17 =	spop (v2sf)  }
0x123: {  	s16 =	sand.u32 $0x1FFFFFF0, s14;
	s14 =	rddreg [dreg:$0x7];
	s19 =	sand.u32 $0x1FFFFFF0, s17  }
0x124: {  	(v2sf) =	vpush v63, $0xE;
	[tilespmem:s26], [sflag:$0x1] =	stream.linear.gather [hbm4b:s10+s2], $0x80, $0x38;
	[tilespmem:$0x10200] =	vst v63  }
0x125: {  	s18 =	sadd.s32 s3, s16;
	s23 =	sadd.s32 s3, s19;
	s20 =	spop (v2sf)  }
0x126: {  	(v2sf) =	vpush v63, $0xF;
	[tilespmem:s24], [sflag:$0x1] =	stream.linear.gather [hbm4b:s15+s2], $0x80, $0x38;
	[tilespmem:$0x10200] =	vst v63  }
0x127: {  	s26 =	rddreg [dreg:$0xa];
	s24 =	sand.u32 $0x1FFFFFF0, s20;
	s25 =	spop (v2sf)  }
0x128: {  	[tilespmem:s21], [sflag:$0x1] =	stream.linear.gather [hbm4b:s18+s2], $0x80, $0x38;
	[tilespmem:$0x10200] =	vst v63  }
0x129: {  	s28 =	sadd.s32 s3, s24;
	s29 =	sand.u32 $0x1FFFFFF0, s25;
	s30 =	spop (v2sf)  }
0x12a: {  	[tilespmem:s26], [sflag:$0x1] =	stream.linear.gather [hbm4b:s23+s2], $0x80, $0x38;
	[tilespmem:$0x10200] =	vst v63  }
0x12b: {  	s18 =	rddreg [dreg:$0x6];
	s4 =	sand.u32 $0x1FFFFFF0, s30;
	s6 =	spop (v2sf)  }
0x12c: {  	[tilespmem:s31], [sflag:$0x1] =	stream.linear.gather [hbm4b:s28+s2], $0x80, $0x38;
	[tilespmem:$0x10200] =	vst v63  }
0x12d: {  	s1 =	sadd.s32 s3, s29;
	s9 =	sadd.s32 s3, s4;
	s10 =	sand.u32 $0x1FFFFFF0, s6  }
0x12e: {  	[tilespmem:s7], [sflag:$0x1] =	stream.linear.gather [hbm4b:s1+s2], $0x80, $0x38;
	[tilespmem:$0x10200] =	vst v63  }
0x12f: {  	s23 =	rddreg [dreg:$0x5];
	s11 =	spop (v2sf);
	s15 =	sadd.s32 s3, s10  }
0x130: {  	[tilespmem:s14], [sflag:$0x1] =	stream.linear.gather [hbm4b:s9+s2], $0x80, $0x38;
	[tilespmem:$0x10200] =	vst v63  }
0x131: {  	s16 =	sand.u32 $0x1FFFFFF0, s11;
	s28 =	rddreg [dreg:$0x4];
	s17 =	spop (v2sf)  }
0x132: {  	[tilespmem:s18], [sflag:$0x1] =	stream.linear.gather [hbm4b:s15+s2], $0x80, $0x38;
	[tilespmem:$0x10200] =	vst v63  }
0x133: {  	s19 =	sadd.s32 s3, s16;
	s20 =	sand.u32 $0x1FFFFFF0, s17;
	s21 =	spop (v2sf)  }
0x134: {  	[tilespmem:s23], [sflag:$0x1] =	stream.linear.gather [hbm4b:s19+s2], $0x80, $0x38;
	[tilespmem:$0x10200] =	vst v63  }
0x135: {  	s24 =	sadd.s32 s3, s20;
	s25 =	sand.u32 $0x1FFFFFF0, s21;
	s26 =	spop (v2sf)  }
0x136: {  	[tilespmem:s28], [sflag:$0x1] =	stream.linear.gather [hbm4b:s24+s2], $0x80, $0x38;
	[tilespmem:$0x10200] =	vst v63  }
0x137: {  	s29 =	sadd.s32 $0x1100, s13;
	s1 =	sadd.s32 s3, s25;
	s4 =	sand.u32 $0x1FFFFFF0, s26  }
0x138: {  	[tilespmem:s29], [sflag:$0x1] =	stream.linear.gather [hbm4b:s1+s2], $0x80, $0x38;
	[tilespmem:$0x10200] =	vst v63  }
0x139: {  	s31 =	rddreg [dreg:$0x3];
	s30 =	sadd.s32 s3, s4  }
0x13a: {  	[tilespmem:s31], [sflag:$0x1] =	stream.linear.gather [hbm4b:s30+s2], $0x80, $0x38;
	[tilespmem:$0x10200] =	vst v63  }
0x13b: {  	_ =	swait.ge [sflag:s8], $0x80  }
0x13c: {  	[sflag:s8] =	ssyncset.done $0x0  }
0x13d: {  	[sflag:s8] =	ssyncadd.s32 $0xFFFFFF80  }
0x13e: {  	_ =	swait.ge [sflag:s8], $0x80  }
0x13f: {  	[sflag:s8] =	ssyncset.done $0x0  }
0x140: {  	[sflag:s8] =	ssyncadd.s32 $0xFFFFFF80  }
0x141: {  	_ =	swait.ge [sflag:s8], $0x80  }
0x142: {  	[sflag:s8] =	ssyncset.done $0x0  }
0x143: {  	[sflag:s8] =	ssyncadd.s32 $0xFFFFFF80  }
0x144: {  	_ =	swait.ge [sflag:s8], $0x80  }
0x145: {  	[sflag:s8] =	ssyncset.done $0x0  }
0x146: {  	[sflag:s8] =	ssyncadd.s32 $0xFFFFFF80  }
0x147: {  	_ =	swait.ge [sflag:s8], $0x80  }
0x148: {  	[sflag:s8] =	ssyncset.done $0x0  }
0x149: {  	[sflag:s8] =	ssyncadd.s32 $0xFFFFFF80  }
0x14a: {  	_ =	swait.ge [sflag:s8], $0x80  }
0x14b: {  	[sflag:s8] =	ssyncset.done $0x0  }
0x14c: {  	[sflag:s8] =	ssyncadd.s32 $0xFFFFFF80  }
0x14d: {  	_ =	swait.ge [sflag:s8], $0x80  }
0x14e: {  	[sflag:s8] =	ssyncset.done $0x0  }
0x14f: {  	[sflag:s8] =	ssyncadd.s32 $0xFFFFFF80  }
0x150: {  	_ =	swait.ge [sflag:s8], $0x80  }
0x151: {  	[sflag:s8] =	ssyncset.done $0x0  }
0x152: {  	[sflag:s8] =	ssyncadd.s32 $0xFFFFFF80  }
0x153: {  	_ =	swait.ge [sflag:s8], $0x80  }
0x154: {  	[sflag:s8] =	ssyncset.done $0x0  }
0x155: {  	[sflag:s8] =	ssyncadd.s32 $0xFFFFFF80  }
0x156: {  	_ =	swait.ge [sflag:s8], $0x80  }
0x157: {  	[sflag:s8] =	ssyncset.done $0x0  }
0x158: {  	[sflag:s8] =	ssyncadd.s32 $0xFFFFFF80  }
0x159: {  	_ =	swait.ge [sflag:s8], $0x80  }
0x15a: {  	[sflag:s8] =	ssyncset.done $0x0  }
0x15b: {  	[sflag:s8] =	ssyncadd.s32 $0xFFFFFF80  }
0x15c: {  	_ =	swait.ge [sflag:s8], $0x80  }
0x15d: {  	[sflag:s8] =	ssyncset.done $0x0  }
0x15e: {  	[sflag:s8] =	ssyncadd.s32 $0xFFFFFF80  }
0x15f: {  	_ =	swait.ge [sflag:s8], $0x80  }
0x160: {  	[sflag:s8] =	ssyncset.done $0x0  }
0x161: {  	p0 =	sne.s32 s12, $0x3C000;
	[sflag:s8] =	ssyncadd.s32 $0xFFFFFF80  }
.Ltmp0:
0x162: {  	_ =	swait.ge [sflag:s8], $0x80;
	(pc) =	sbr.rel @p0 .LBB2_2-.Ltmp0, $4  }
0x163: {  	[sflag:s8] =	ssyncset.done $0x0  }
0x164: {  	[sflag:s8] =	ssyncadd.s32 $0xFFFFFF80  }
0x165: {  	_ =	swait.ge [sflag:s8], $0x80  }
0x166: {  	s12 =	sadd.s32 $0x4000, s12;
	[sflag:s8] =	ssyncset.done $0x0  }
0x167: {  	[sflag:s8] =	ssyncadd.s32 $0xFFFFFF80  }
0x168: {  	_ =	swait.ge [sflag:s8], $0x80  }
0x169: {  	[sflag:s8] =	ssyncset.done $0x0  }
0x16a: {  	[sflag:s8] =	ssyncadd.s32 $0xFFFFFF80  }
0x16b: {  	_ =	swait.ge [sflag:s8], $0x80  }
0x16c: {  	[sflag:s8] =	ssyncset.done $0x0  }
0x16d: {  	[sflag:s8] =	ssyncadd.s32 $0xFFFFFF80  }
0x16e: {  	_ =	swait.ge [sflag:s8], $0x80  }
0x16f: {  	[sflag:s8] =	ssyncset.done $0x0  }
0x170: {  	[sflag:s8] =	ssyncadd.s32 $0xFFFFFF80  }
0x171: {  	_ =	swait.ge [sflag:s8], $0x80  }
0x172: {  	[sflag:s8] =	ssyncset.done $0x0  }
0x173: {  	[sflag:s8] =	ssyncadd.s32 $0xFFFFFF80  }
0x174: {  	_ =	swait.ge [sflag:s8], $0x80  }
0x175: {  	[sflag:s8] =	ssyncset.done $0x0  }
0x176: {  	[sflag:s8] =	ssyncadd.s32 $0xFFFFFF80  }
0x177: {  	_ =	swait.ge [sflag:s8], $0x80  }
0x178: {  	[sflag:s8] =	ssyncset.done $0x0  }
0x179: {  	[sflag:s8] =	ssyncadd.s32 $0xFFFFFF80  }
0x17a: {  	_ =	swait.ge [sflag:s8], $0x80  }
0x17b: {  	[sflag:s8] =	ssyncset.done $0x0  }
0x17c: {  	[sflag:s8] =	ssyncadd.s32 $0xFFFFFF80  }
0x17d: {  	_ =	swait.ge [sflag:s8], $0x80  }
0x17e: {  	[sflag:s8] =	ssyncset.done $0x0  }
0x17f: {  	[sflag:s8] =	ssyncadd.s32 $0xFFFFFF80  }
0x180: {  	_ =	swait.ge [sflag:s8], $0x80  }
0x181: {  	[sflag:s8] =	ssyncset.done $0x0  }
0x182: {  	[sflag:s8] =	ssyncadd.s32 $0xFFFFFF80  }
0x183: {  	_ =	swait.ge [sflag:s8], $0x80  }
0x184: {  	[sflag:s8] =	ssyncset.done $0x0  }
0x185: {  	[sflag:s8] =	ssyncadd.s32 $0xFFFFFF80  }
0x186: {  	_ =	swait.ge [sflag:s8], $0x80  }
0x187: {  	[sflag:s8] =	ssyncset.done $0x0  }
0x188: {  	[sflag:s8] =	ssyncadd.s32 $0xFFFFFF80  }
0x189: {  	_ =	swait.ge [sflag:s8], $0x80  }
0x18a: {  	[sflag:s8] =	ssyncset.done $0x0  }
0x18b: {  	[sflag:s8] =	ssyncadd.s32 $0xFFFFFF80  }
0x18c: {  	_ =	swait.ge [sflag:s8], $0x80  }
0x18d: {  	[sflag:s8] =	ssyncset.done $0x0  }
0x18e: {  	[sflag:s8] =	ssyncadd.s32 $0xFFFFFF80  }
0x18f: {  	_ =	swait.ge [sflag:s8], $0x80  }
0x190: {  	[sflag:s8] =	ssyncset.done $0x0  }
0x191: {  	[sflag:s8] =	ssyncadd.s32 $0xFFFFFF80  }
0x192: {  	_ =	swait.ge [sflag:s8], $0x80  }
0x193: {  	[sflag:s8] =	ssyncset.done $0x0  }
0x194: {  	[sflag:s8] =	ssyncadd.s32 $0xFFFFFF80  }
0x195: {  	_ =	swait.ge [sflag:s8], $0x80  }
0x196: {  	[sflag:s8] =	ssyncset.done $0x0  }
0x197: {  	[sflag:s8] =	ssyncadd.s32 $0xFFFFFF80  }
0x198: {  	_ =	swait.ge [sflag:s8], $0x80  }
0x199: {  	[sflag:s8] =	ssyncset.done $0x0  }
0x19a: {  	s1 =	simm.s32 $0x200;
	s0 =	rddreg [dreg:$0xd];
	[sflag:s8] =	ssyncadd.s32 $0xFFFFFF80  }
0x19b: {  	[hbm4b:s0+s2] =	stream.linear.scatter [tilespmem:s1], [sflag:$0x2], $0x10000, $0x38;
	[tilespmem:$0x10200] =	vst v63  }
0x19c: {  	s1 =	simm.s32 $0x2  }
0x19d: {  	_ =	swait.ge [sflag:s1], $0x10000  }
0x19e: {  	s4 =	rddreg [dreg:$0xf]  }
0x19f: {  	s31 =	rddreg [dreg:$0xe];
	s4 =	sadd.s32 $0x1, s4  }
0x1a0: {  	p0 =	sne.s32 s4, s31  }
.Ltmp1:
0x1a1: {  	_ = 	snop;
	(pc) =	sbr.rel @p0 .LBB2_1-.Ltmp1, $3  }
0x1a2: {  	_ =	sdelay $0x1  }
0x1a3: {  	[sflag:s1] =	ssyncset.done $0x0  }
0x1a4: {  	[sflag:s1] =	ssyncadd.s32 $0xFFFF0000  }
0x1a5: {  	_ =	sfence.sel $0x180000  }
0x1a6: {  	[bflag:$0x0] =	sbarrier.arrive $0xFFFF  }
0x1a7: {  	_ =	strace $0x90000047  }
0x1a8: {  	s0 =	stileid.u32;
	[bflag:$0x2] =	sbarrier.arrive $0xFFFF  }
0x1a9: {  	p0 =	sne.s32 s0, $0x0;
	s0 =	rddreg [dreg:$0x2]  }
0x1aa: {  	s0 =	sadd.s32 @!p0 $0x100000, s0  }
0x1ab: {  	[sflag:s0] =	ssyncadd.tile.s32 @!p0 $0x1;
	_ =	shalt  }
.Lfunc_end2:
_tile_overlayer_lowered:
.L_overlay_start_2:
0x1ac: {  	(tag) =	ssettag $0x2  }
0x1ad: {  	s0 =	rddreg [dreg:$0x0];
	s2 =	stileid.u32  }
0x1ae: {  	s1 =	rddreg [dreg:$0x1];
	p0 =	sne.s32 s2, $0x0  }
0x1af: {  	s3 =	rddreg [dreg:$0x2];
	[bflag:$0x3] =	sbarrier.arrive $0xFFFF;
	s2 =	simm.s32 @!p0 $0x1C02  }
0x1b0: {  	[timem:s3], [sflag:s2] =	dma.local @!p0 [hbm:s0], s1  }
0x1b1: {  	s0 =	simm.s32 @!p0 $0x2  }
0x1b2: {  	_ =	swait.ge @!p0 [sflag:s0], s1  }
0x1b3: {  	s1 =	ssub.s32 @!p0 $0x0, s1;
	[sflag:s0] =	ssyncset.done @!p0 $0x0  }
0x1b4: {  	[sflag:s0] =	ssyncadd.s32 @!p0 s1  }
0x1b5: {  	[bflag:$0x3] =	sbarrier.arrive $0xFFFF  }
0x1b6: {  	_ =	shalt  }

</sc_bundles>
